<compile_context>
chip_gen: v7x
topology: tpu7x:2x2x1
jax: 0.10.2.dev20260603
libtpu: 0.0.44.dev20260713+nightly
codegen_flags: <defaults>
</compile_context>

<pallas_src>
import functools

import jax
import jax.numpy as jnp
from jax import lax
from jax.experimental import pallas as pl
from jax.experimental.pallas import tpu as pltpu
from jax.experimental.pallas import tpu_sc as plsc

NC = 2
NS = 16
NW = NC * NS
CHUNK = 128
ROW = 128


TR_LANES = 65536


def _tr_body(tt_ref, out_ref):
    x = tt_ref[...]
    for q in range(TR_LANES // 512):
        y = jnp.concatenate(
            [x[:, 512 * q + 128 * p:512 * q + 128 * (p + 1)]
             for p in range(4)], axis=0)
        out_ref[128 * q:128 * (q + 1), :] = jnp.transpose(y)


def _transpose_table(table_t):
    n_feat, vocab = table_t.shape
    grid = (pl.cdiv(vocab, TR_LANES),)
    out_rows = grid[0] * (TR_LANES // 4)
    return pl.pallas_call(
        _tr_body,
        grid=grid,
        in_specs=[pl.BlockSpec((n_feat, TR_LANES), lambda u: (0, u))],
        out_specs=pl.BlockSpec((TR_LANES // 4, ROW), lambda u: (u, 0)),
        out_shape=jax.ShapeDtypeStruct((out_rows, ROW), jnp.float32),
    )(table_t)


def _make_sc_gather(batch):
    b_per_w = batch // NW
    n_chunks = b_per_w // CHUNK
    mesh = plsc.VectorSubcoreMesh(core_axis_name="c", subcore_axis_name="s")

    @functools.partial(
        pl.kernel,
        mesh=mesh,
        out_type=jax.ShapeDtypeStruct((NW, b_per_w, ROW), jnp.float32),
        scratch_types=[
            pltpu.VMEM((n_chunks, CHUNK), jnp.int32),
            pltpu.VMEM((b_per_w, ROW), jnp.float32),
            pltpu.SemaphoreType.DMA,
        ],
    )
    def gather(table_hbm, idx_hbm, out_hbm, idx_v, rows_v, sem):
        wid = lax.axis_index("s") * NC + lax.axis_index("c")
        pltpu.sync_copy(idx_hbm.at[wid], idx_v)
        copies = [
            pltpu.async_copy(
                table_hbm.at[idx_v.at[j]],
                rows_v.at[pl.ds(j * CHUNK, CHUNK)],
                sem,
            )
            for j in range(n_chunks)
        ]
        for c in copies:
            c.wait()
        pltpu.sync_copy(rows_v, out_hbm.at[wid])

    return gather


def _mlp_body(xin_ref, x4_ref, w1x_ref, w1e_ref, b1_ref, w2_ref, b2_ref,
              out_ref):
    c0 = xin_ref[..., 0:1]
    s1 = jnp.floor(c0 * (1.0 / 128.0))
    sub = s1 - 4.0 * jnp.floor(s1 * 0.25)
    x4 = x4_ref[...]
    emb_dim = w1e_ref.shape[0]
    xemb = jnp.zeros((x4.shape[0], emb_dim), jnp.float32)
    for s in range(4):
        sel = sub == float(s)
        xemb = xemb + jnp.where(sel, x4[:, s * emb_dim:(s + 1) * emb_dim], 0.0)
    h = jnp.dot(xin_ref[...], w1x_ref[...], preferred_element_type=jnp.float32)
    h = h + jnp.dot(xemb, w1e_ref[...], preferred_element_type=jnp.float32)
    h = jnp.maximum(h + b1_ref[...], 0.0)
    o = jnp.dot(h, w2_ref[...], preferred_element_type=jnp.float32)
    out_ref[...] = jnp.maximum(o + b2_ref[...], 0.0)


def _mlp(inputs, x4, w1x, w1e, b1, w2, b2, block_m=1024):
    batch, n_feat = inputs.shape
    hidden = w1x.shape[1]
    out_dim = w2.shape[1]
    grid = (batch // block_m,)
    return pl.pallas_call(
        _mlp_body,
        grid=grid,
        in_specs=[
            pl.BlockSpec((block_m, n_feat), lambda i: (i, 0)),
            pl.BlockSpec((block_m, ROW), lambda i: (i, 0)),
            pl.BlockSpec((n_feat, hidden), lambda i: (0, 0)),
            pl.BlockSpec((w1e.shape[0], hidden), lambda i: (0, 0)),
            pl.BlockSpec((1, hidden), lambda i: (0, 0)),
            pl.BlockSpec((hidden, out_dim), lambda i: (0, 0)),
            pl.BlockSpec((1, out_dim), lambda i: (0, 0)),
        ],
        out_specs=pl.BlockSpec((block_m, out_dim), lambda i: (i, 0)),
        out_shape=jax.ShapeDtypeStruct((batch, out_dim), jnp.float32),
    )(inputs, x4, w1x, w1e, b1, w2, b2)


def kernel(inputs, emb_table, W1, b1, W2, b2):
    batch, n_feat = inputs.shape
    vocab, emb_dim = emb_table.shape
    hidden = W1.shape[1]

    idx = inputs[:, 0].astype(jnp.int32)
    hi = (((idx >> 9) << 7) | (idx & 127)).reshape(
        NW, batch // NW // CHUNK, CHUNK)
    table4 = _transpose_table(emb_table.T)
    x4 = _make_sc_gather(batch)(table4, hi)
    x4 = x4.reshape(batch, ROW)

    w1x = jnp.concatenate(
        [jnp.zeros((1, hidden), jnp.float32), W1[: n_feat - 1]], axis=0)
    w1e = W1[n_feat - 1:]
    return _mlp(inputs, x4, w1x, w1e, b1[None, :], W2, b2[None, :])

# --- scband reference (transcript-rebuilt; emitter-appended) ---
"""Pipeline reference for scband-feature-embedding-86423331930156 (READ-ONLY COPY).

The authoritative reference and input builder live on the scoring server;
editing this copy changes nothing except your own understanding.
"""

import jax, jax.numpy as jnp
import numpy as np

FEATURE_IDX_TO_SELECT = jnp.array(list(range(1, 100)), dtype=jnp.int32)
CAT_EMB_FEATURE_IDX = 0
VOCAB = 1000000
EMB_DIM = 32
HIDDEN_DIM = 256
OUT_DIM = 128
BATCH = 16384
N_FEAT = 100


def setup_inputs(seed: int = 0) -> dict:
    key = jax.random.key(seed)
    k1, k2, k3, k4 = jax.random.split(key, 4)
    inputs = jax.random.randint(k1, (BATCH, N_FEAT), 0, VOCAB).astype(jnp.float32)
    emb_table = jax.random.normal(k2, (VOCAB, EMB_DIM), dtype=jnp.float32) * 0.01
    in_dim = len(range(1, 100)) + EMB_DIM  # 99 selected dense features + embedding dim
    W1 = jax.random.normal(k3, (in_dim, HIDDEN_DIM), dtype=jnp.float32) * 0.01
    b1 = jnp.zeros((HIDDEN_DIM,), dtype=jnp.float32)
    W2 = jax.random.normal(k4, (HIDDEN_DIM, OUT_DIM), dtype=jnp.float32) * 0.01
    b2 = jnp.zeros((OUT_DIM,), dtype=jnp.float32)
    return {"inputs": inputs, "emb_table": emb_table, "W1": W1, "b1": b1, "W2": W2, "b2": b2}


def reference(inputs, emb_table, W1, b1, W2, b2):
    # Keras Embedding casts its (float) input to int32 before the lookup
    idx = inputs[..., CAT_EMB_FEATURE_IDX].astype(jnp.int32)
    x_emb = jnp.take(emb_table, idx, axis=0)
    x_inputs = jnp.take(inputs, FEATURE_IDX_TO_SELECT, axis=-1)
    x = jnp.concatenate([x_inputs, x_emb], axis=-1)
    h = jax.nn.relu(x @ W1 + b1)
    out = jax.nn.relu(h @ W2 + b2)
    return out

if __name__ == "__main__":
    import jax
    _d = setup_inputs()
    print(jax.jit(kernel)(*tuple(_d.values())))

</pallas_src>

<mosaic_0001>
#map = affine_map<(d0, d1) -> (0, 0)>
#map1 = affine_map<(d0, d1) -> (0, 0, 0)>
module attributes {stable_mosaic.version = 14 : i64} {
  func.func @gather(%arg0: i32, %arg1: i32, %arg2: memref<262144x128xf32, #tpu.memory_space<hbm>>, %arg3: memref<32x4x128xi32, #tpu.memory_space<hbm>>, %arg4: memref<32x512x128xf32, #tpu.memory_space<hbm>>, %arg5: memref<4x128xi32, #tpu.memory_space<vmem>>, %arg6: memref<512x128xf32, #tpu.memory_space<vmem>>, %arg7: memref<!tpu.dma_semaphore, #tpu.memory_space<semaphore_mem>>) attributes {dimension_semantics = [#tpu.dimension_semantics<core_parallel>, #tpu.dimension_semantics<subcore_parallel>], iteration_bounds = array<i64: 2, 16>, scalar_prefetch = 0 : i64, scratch_operands = 3 : i64, tpu.core_type = #tpu.core_type<sc_vector_subcore>, window_params = [{transform_indices = #map}, {transform_indices = #map1}, {transform_indices = #map1}]} {
    %mul3A = arith.constant 2 : i32
    %mul3A_0 = arith.muli %arg1, %mul3A : i32
    %add3A = arith.addi %mul3A_0, %arg0 : i32
    "tpu.region"() ({
      %run_scoped3A = tpu.sem_alloc : memref<!tpu.dma_semaphore, #tpu.memory_space<semaphore_mem>>
      %dma_start3A_79 = arith.constant 0 : i32
      %dma_start3A_80 = arith.constant 0 : i32
      %dma_start3A_81 = tpu.memref_slice %arg3[%add3A, %dma_start3A_79, %dma_start3A_80] : memref<32x4x128xi32, #tpu.memory_space<hbm>> -> memref<1x4x128xi32, #tpu.memory_space<hbm>>
      %dma_start3A_82 = tpu.memref_squeeze %dma_start3A_81 : memref<1x4x128xi32, #tpu.memory_space<hbm>> -> memref<4x128xi32, #tpu.memory_space<hbm>>
      %dma_start3A_83 = arith.constant 0 : i32
      %dma_start3A_84 = arith.constant 0 : i32
      %dma_start3A_85 = tpu.memref_slice %arg3[%add3A, %dma_start3A_83, %dma_start3A_84] : memref<32x4x128xi32, #tpu.memory_space<hbm>> -> memref<1x4x128xi32, #tpu.memory_space<hbm>>
      %dma_start3A_86 = tpu.memref_squeeze %dma_start3A_85 : memref<1x4x128xi32, #tpu.memory_space<hbm>> -> memref<4x128xi32, #tpu.memory_space<hbm>>
      tpu.enqueue_dma source(%dma_start3A_86 : memref<4x128xi32, #tpu.memory_space<hbm>>) target(%arg5 : memref<4x128xi32, #tpu.memory_space<vmem>>) target_semaphore(%run_scoped3A : memref<!tpu.dma_semaphore, #tpu.memory_space<semaphore_mem>>)
      %dma_wait3A_87 = arith.constant 0 : i32
      %dma_wait3A_88 = arith.constant 0 : i32
      %dma_wait3A_89 = tpu.memref_slice %arg3[%add3A, %dma_wait3A_87, %dma_wait3A_88] : memref<32x4x128xi32, #tpu.memory_space<hbm>> -> memref<1x4x128xi32, #tpu.memory_space<hbm>>
      %dma_wait3A_90 = tpu.memref_squeeze %dma_wait3A_89 : memref<1x4x128xi32, #tpu.memory_space<hbm>> -> memref<4x128xi32, #tpu.memory_space<hbm>>
      %dma_wait3A_91 = arith.constant 0 : i32
      %dma_wait3A_92 = arith.constant 0 : i32
      %dma_wait3A_93 = tpu.memref_slice %arg3[%add3A, %dma_wait3A_91, %dma_wait3A_92] : memref<32x4x128xi32, #tpu.memory_space<hbm>> -> memref<1x4x128xi32, #tpu.memory_space<hbm>>
      %dma_wait3A_94 = tpu.memref_squeeze %dma_wait3A_93 : memref<1x4x128xi32, #tpu.memory_space<hbm>> -> memref<4x128xi32, #tpu.memory_space<hbm>>
      tpu.wait_dma2 semaphore(%run_scoped3A : memref<!tpu.dma_semaphore, #tpu.memory_space<semaphore_mem>>) src(%dma_wait3A_94 : memref<4x128xi32, #tpu.memory_space<hbm>>) dst(%arg5 : memref<4x128xi32, #tpu.memory_space<vmem>>)
      tpu.yield
    }) : () -> ()
    %dma_start3A = arith.constant 0 : i32
    %dma_start3A_1 = arith.constant 0 : i32
    %dma_start3A_2 = arith.constant 0 : i32
    %dma_start3A_3 = tpu.memref_slice %arg6[%dma_start3A_1, %dma_start3A_2] : memref<512x128xf32, #tpu.memory_space<vmem>> -> memref<128x128xf32, #tpu.memory_space<vmem>>
    %dma_start3A_4 = arith.constant 0 : i32
    %dma_start3A_5 = tpu.memref_slice %arg5[%dma_start3A, %dma_start3A_4] : memref<4x128xi32, #tpu.memory_space<vmem>> -> memref<1x128xi32, #tpu.memory_space<vmem>>
    %dma_start3A_6 = tpu.memref_squeeze %dma_start3A_5 : memref<1x128xi32, #tpu.memory_space<vmem>> -> memref<128xi32, #tpu.memory_space<vmem>>
    %dma_start3A_7 = arith.constant 0 : i32
    %dma_start3A_8 = arith.constant 0 : i32
    %dma_start3A_9 = tpu.memref_slice %arg2[%dma_start3A_7, %dma_start3A_8] : memref<262144x128xf32, #tpu.memory_space<hbm>> -> memref<262144x128xf32, #tpu.memory_space<hbm>>
    tpu.enqueue_indirect_dma source(%dma_start3A_9 : memref<262144x128xf32, #tpu.memory_space<hbm>>) target(%dma_start3A_3 : memref<128x128xf32, #tpu.memory_space<vmem>>) offsets(%dma_start3A_6 : memref<128xi32, #tpu.memory_space<vmem>>) semaphore(%arg7 : memref<!tpu.dma_semaphore, #tpu.memory_space<semaphore_mem>>)
    %dma_start3A_10 = arith.constant 1 : i32
    %dma_start3A_11 = arith.constant 128 : i32
    %dma_start3A_12 = arith.constant 0 : i32
    %dma_start3A_13 = tpu.memref_slice %arg6[%dma_start3A_11, %dma_start3A_12] : memref<512x128xf32, #tpu.memory_space<vmem>> -> memref<128x128xf32, #tpu.memory_space<vmem>>
    %dma_start3A_14 = arith.constant 0 : i32
    %dma_start3A_15 = tpu.memref_slice %arg5[%dma_start3A_10, %dma_start3A_14] : memref<4x128xi32, #tpu.memory_space<vmem>> -> memref<1x128xi32, #tpu.memory_space<vmem>>
    %dma_start3A_16 = tpu.memref_squeeze %dma_start3A_15 : memref<1x128xi32, #tpu.memory_space<vmem>> -> memref<128xi32, #tpu.memory_space<vmem>>
    %dma_start3A_17 = arith.constant 0 : i32
    %dma_start3A_18 = arith.constant 0 : i32
    %dma_start3A_19 = tpu.memref_slice %arg2[%dma_start3A_17, %dma_start3A_18] : memref<262144x128xf32, #tpu.memory_space<hbm>> -> memref<262144x128xf32, #tpu.memory_space<hbm>>
    tpu.enqueue_indirect_dma source(%dma_start3A_19 : memref<262144x128xf32, #tpu.memory_space<hbm>>) target(%dma_start3A_13 : memref<128x128xf32, #tpu.memory_space<vmem>>) offsets(%dma_start3A_16 : memref<128xi32, #tpu.memory_space<vmem>>) semaphore(%arg7 : memref<!tpu.dma_semaphore, #tpu.memory_space<semaphore_mem>>)
    %dma_start3A_20 = arith.constant 2 : i32
    %dma_start3A_21 = arith.constant 256 : i32
    %dma_start3A_22 = arith.constant 0 : i32
    %dma_start3A_23 = tpu.memref_slice %arg6[%dma_start3A_21, %dma_start3A_22] : memref<512x128xf32, #tpu.memory_space<vmem>> -> memref<128x128xf32, #tpu.memory_space<vmem>>
    %dma_start3A_24 = arith.constant 0 : i32
    %dma_start3A_25 = tpu.memref_slice %arg5[%dma_start3A_20, %dma_start3A_24] : memref<4x128xi32, #tpu.memory_space<vmem>> -> memref<1x128xi32, #tpu.memory_space<vmem>>
    %dma_start3A_26 = tpu.memref_squeeze %dma_start3A_25 : memref<1x128xi32, #tpu.memory_space<vmem>> -> memref<128xi32, #tpu.memory_space<vmem>>
    %dma_start3A_27 = arith.constant 0 : i32
    %dma_start3A_28 = arith.constant 0 : i32
    %dma_start3A_29 = tpu.memref_slice %arg2[%dma_start3A_27, %dma_start3A_28] : memref<262144x128xf32, #tpu.memory_space<hbm>> -> memref<262144x128xf32, #tpu.memory_space<hbm>>
    tpu.enqueue_indirect_dma source(%dma_start3A_29 : memref<262144x128xf32, #tpu.memory_space<hbm>>) target(%dma_start3A_23 : memref<128x128xf32, #tpu.memory_space<vmem>>) offsets(%dma_start3A_26 : memref<128xi32, #tpu.memory_space<vmem>>) semaphore(%arg7 : memref<!tpu.dma_semaphore, #tpu.memory_space<semaphore_mem>>)
    %dma_start3A_30 = arith.constant 3 : i32
    %dma_start3A_31 = arith.constant 384 : i32
    %dma_start3A_32 = arith.constant 0 : i32
    %dma_start3A_33 = tpu.memref_slice %arg6[%dma_start3A_31, %dma_start3A_32] : memref<512x128xf32, #tpu.memory_space<vmem>> -> memref<128x128xf32, #tpu.memory_space<vmem>>
    %dma_start3A_34 = arith.constant 0 : i32
    %dma_start3A_35 = tpu.memref_slice %arg5[%dma_start3A_30, %dma_start3A_34] : memref<4x128xi32, #tpu.memory_space<vmem>> -> memref<1x128xi32, #tpu.memory_space<vmem>>
    %dma_start3A_36 = tpu.memref_squeeze %dma_start3A_35 : memref<1x128xi32, #tpu.memory_space<vmem>> -> memref<128xi32, #tpu.memory_space<vmem>>
    %dma_start3A_37 = arith.constant 0 : i32
    %dma_start3A_38 = arith.constant 0 : i32
    %dma_start3A_39 = tpu.memref_slice %arg2[%dma_start3A_37, %dma_start3A_38] : memref<262144x128xf32, #tpu.memory_space<hbm>> -> memref<262144x128xf32, #tpu.memory_space<hbm>>
    tpu.enqueue_indirect_dma source(%dma_start3A_39 : memref<262144x128xf32, #tpu.memory_space<hbm>>) target(%dma_start3A_33 : memref<128x128xf32, #tpu.memory_space<vmem>>) offsets(%dma_start3A_36 : memref<128xi32, #tpu.memory_space<vmem>>) semaphore(%arg7 : memref<!tpu.dma_semaphore, #tpu.memory_space<semaphore_mem>>)
    %dma_wait3A = arith.constant 0 : i32
    %dma_wait3A_40 = arith.constant 0 : i32
    %dma_wait3A_41 = arith.constant 0 : i32
    %dma_wait3A_42 = tpu.memref_slice %arg6[%dma_wait3A_40, %dma_wait3A_41] : memref<512x128xf32, #tpu.memory_space<vmem>> -> memref<128x128xf32, #tpu.memory_space<vmem>>
    %dma_wait3A_43 = arith.constant 0 : i32
    %dma_wait3A_44 = tpu.memref_slice %arg5[%dma_wait3A, %dma_wait3A_43] : memref<4x128xi32, #tpu.memory_space<vmem>> -> memref<1x128xi32, #tpu.memory_space<vmem>>
    %dma_wait3A_45 = tpu.memref_squeeze %dma_wait3A_44 : memref<1x128xi32, #tpu.memory_space<vmem>> -> memref<128xi32, #tpu.memory_space<vmem>>
    %dma_wait3A_46 = arith.constant 0 : i32
    %dma_wait3A_47 = arith.constant 0 : i32
    %dma_wait3A_48 = tpu.memref_slice %arg2[%dma_wait3A_46, %dma_wait3A_47] : memref<262144x128xf32, #tpu.memory_space<hbm>> -> memref<262144x128xf32, #tpu.memory_space<hbm>>
    tpu.wait_indirect_dma semaphore(%arg7 : memref<!tpu.dma_semaphore, #tpu.memory_space<semaphore_mem>>) src(%dma_wait3A_48 : memref<262144x128xf32, #tpu.memory_space<hbm>>) dst(%dma_wait3A_42 : memref<128x128xf32, #tpu.memory_space<vmem>>)
    %dma_wait3A_49 = arith.constant 1 : i32
    %dma_wait3A_50 = arith.constant 128 : i32
    %dma_wait3A_51 = arith.constant 0 : i32
    %dma_wait3A_52 = tpu.memref_slice %arg6[%dma_wait3A_50, %dma_wait3A_51] : memref<512x128xf32, #tpu.memory_space<vmem>> -> memref<128x128xf32, #tpu.memory_space<vmem>>
    %dma_wait3A_53 = arith.constant 0 : i32
    %dma_wait3A_54 = tpu.memref_slice %arg5[%dma_wait3A_49, %dma_wait3A_53] : memref<4x128xi32, #tpu.memory_space<vmem>> -> memref<1x128xi32, #tpu.memory_space<vmem>>
    %dma_wait3A_55 = tpu.memref_squeeze %dma_wait3A_54 : memref<1x128xi32, #tpu.memory_space<vmem>> -> memref<128xi32, #tpu.memory_space<vmem>>
    %dma_wait3A_56 = arith.constant 0 : i32
    %dma_wait3A_57 = arith.constant 0 : i32
    %dma_wait3A_58 = tpu.memref_slice %arg2[%dma_wait3A_56, %dma_wait3A_57] : memref<262144x128xf32, #tpu.memory_space<hbm>> -> memref<262144x128xf32, #tpu.memory_space<hbm>>
    tpu.wait_indirect_dma semaphore(%arg7 : memref<!tpu.dma_semaphore, #tpu.memory_space<semaphore_mem>>) src(%dma_wait3A_58 : memref<262144x128xf32, #tpu.memory_space<hbm>>) dst(%dma_wait3A_52 : memref<128x128xf32, #tpu.memory_space<vmem>>)
    %dma_wait3A_59 = arith.constant 2 : i32
    %dma_wait3A_60 = arith.constant 256 : i32
    %dma_wait3A_61 = arith.constant 0 : i32
    %dma_wait3A_62 = tpu.memref_slice %arg6[%dma_wait3A_60, %dma_wait3A_61] : memref<512x128xf32, #tpu.memory_space<vmem>> -> memref<128x128xf32, #tpu.memory_space<vmem>>
    %dma_wait3A_63 = arith.constant 0 : i32
    %dma_wait3A_64 = tpu.memref_slice %arg5[%dma_wait3A_59, %dma_wait3A_63] : memref<4x128xi32, #tpu.memory_space<vmem>> -> memref<1x128xi32, #tpu.memory_space<vmem>>
    %dma_wait3A_65 = tpu.memref_squeeze %dma_wait3A_64 : memref<1x128xi32, #tpu.memory_space<vmem>> -> memref<128xi32, #tpu.memory_space<vmem>>
    %dma_wait3A_66 = arith.constant 0 : i32
    %dma_wait3A_67 = arith.constant 0 : i32
    %dma_wait3A_68 = tpu.memref_slice %arg2[%dma_wait3A_66, %dma_wait3A_67] : memref<262144x128xf32, #tpu.memory_space<hbm>> -> memref<262144x128xf32, #tpu.memory_space<hbm>>
    tpu.wait_indirect_dma semaphore(%arg7 : memref<!tpu.dma_semaphore, #tpu.memory_space<semaphore_mem>>) src(%dma_wait3A_68 : memref<262144x128xf32, #tpu.memory_space<hbm>>) dst(%dma_wait3A_62 : memref<128x128xf32, #tpu.memory_space<vmem>>)
    %dma_wait3A_69 = arith.constant 3 : i32
    %dma_wait3A_70 = arith.constant 384 : i32
    %dma_wait3A_71 = arith.constant 0 : i32
    %dma_wait3A_72 = tpu.memref_slice %arg6[%dma_wait3A_70, %dma_wait3A_71] : memref<512x128xf32, #tpu.memory_space<vmem>> -> memref<128x128xf32, #tpu.memory_space<vmem>>
    %dma_wait3A_73 = arith.constant 0 : i32
    %dma_wait3A_74 = tpu.memref_slice %arg5[%dma_wait3A_69, %dma_wait3A_73] : memref<4x128xi32, #tpu.memory_space<vmem>> -> memref<1x128xi32, #tpu.memory_space<vmem>>
    %dma_wait3A_75 = tpu.memref_squeeze %dma_wait3A_74 : memref<1x128xi32, #tpu.memory_space<vmem>> -> memref<128xi32, #tpu.memory_space<vmem>>
    %dma_wait3A_76 = arith.constant 0 : i32
    %dma_wait3A_77 = arith.constant 0 : i32
    %dma_wait3A_78 = tpu.memref_slice %arg2[%dma_wait3A_76, %dma_wait3A_77] : memref<262144x128xf32, #tpu.memory_space<hbm>> -> memref<262144x128xf32, #tpu.memory_space<hbm>>
    tpu.wait_indirect_dma semaphore(%arg7 : memref<!tpu.dma_semaphore, #tpu.memory_space<semaphore_mem>>) src(%dma_wait3A_78 : memref<262144x128xf32, #tpu.memory_space<hbm>>) dst(%dma_wait3A_72 : memref<128x128xf32, #tpu.memory_space<vmem>>)
    "tpu.region"() ({
      %run_scoped3A = tpu.sem_alloc : memref<!tpu.dma_semaphore, #tpu.memory_space<semaphore_mem>>
      %dma_start3A_79 = arith.constant 0 : i32
      %dma_start3A_80 = arith.constant 0 : i32
      %dma_start3A_81 = tpu.memref_slice %arg4[%add3A, %dma_start3A_79, %dma_start3A_80] : memref<32x512x128xf32, #tpu.memory_space<hbm>> -> memref<1x512x128xf32, #tpu.memory_space<hbm>>
      %dma_start3A_82 = tpu.memref_squeeze %dma_start3A_81 : memref<1x512x128xf32, #tpu.memory_space<hbm>> -> memref<512x128xf32, #tpu.memory_space<hbm>>
      %dma_start3A_83 = arith.constant 0 : i32
      %dma_start3A_84 = arith.constant 0 : i32
      %dma_start3A_85 = tpu.memref_slice %arg4[%add3A, %dma_start3A_83, %dma_start3A_84] : memref<32x512x128xf32, #tpu.memory_space<hbm>> -> memref<1x512x128xf32, #tpu.memory_space<hbm>>
      %dma_start3A_86 = tpu.memref_squeeze %dma_start3A_85 : memref<1x512x128xf32, #tpu.memory_space<hbm>> -> memref<512x128xf32, #tpu.memory_space<hbm>>
      tpu.enqueue_dma source(%arg6 : memref<512x128xf32, #tpu.memory_space<vmem>>) target(%dma_start3A_86 : memref<512x128xf32, #tpu.memory_space<hbm>>) target_semaphore(%run_scoped3A : memref<!tpu.dma_semaphore, #tpu.memory_space<semaphore_mem>>)
      %dma_wait3A_87 = arith.constant 0 : i32
      %dma_wait3A_88 = arith.constant 0 : i32
      %dma_wait3A_89 = tpu.memref_slice %arg4[%add3A, %dma_wait3A_87, %dma_wait3A_88] : memref<32x512x128xf32, #tpu.memory_space<hbm>> -> memref<1x512x128xf32, #tpu.memory_space<hbm>>
      %dma_wait3A_90 = tpu.memref_squeeze %dma_wait3A_89 : memref<1x512x128xf32, #tpu.memory_space<hbm>> -> memref<512x128xf32, #tpu.memory_space<hbm>>
      %dma_wait3A_91 = arith.constant 0 : i32
      %dma_wait3A_92 = arith.constant 0 : i32
      %dma_wait3A_93 = tpu.memref_slice %arg4[%add3A, %dma_wait3A_91, %dma_wait3A_92] : memref<32x512x128xf32, #tpu.memory_space<hbm>> -> memref<1x512x128xf32, #tpu.memory_space<hbm>>
      %dma_wait3A_94 = tpu.memref_squeeze %dma_wait3A_93 : memref<1x512x128xf32, #tpu.memory_space<hbm>> -> memref<512x128xf32, #tpu.memory_space<hbm>>
      tpu.wait_dma2 semaphore(%run_scoped3A : memref<!tpu.dma_semaphore, #tpu.memory_space<semaphore_mem>>) src(%arg6 : memref<512x128xf32, #tpu.memory_space<vmem>>) dst(%dma_wait3A_94 : memref<512x128xf32, #tpu.memory_space<hbm>>)
      tpu.yield
    }) : () -> ()
    return
  }
}

module attributes {stable_mosaic.version = 14 : i64} {
  func.func @_tr_body(%arg0: i32, %arg1: memref<32x65536xf32, #tpu.memory_space<vmem>>, %arg2: memref<16384x128xf32, #tpu.memory_space<vmem>>) attributes {dimension_semantics = [#tpu.dimension_semantics<arbitrary>], iteration_bounds = array<i64: 16>, scalar_prefetch = 0 : i64, scratch_operands = 0 : i64, tpu.core_type = #tpu.core_type<tc>, window_params = [{transform_indices = @transform_0, window_bounds = array<i64: 32, 65536>}, {transform_indices = @transform_1, window_bounds = array<i64: 16384, 128>}]} {
    %get3A = arith.constant 0 : index
    %get3A_0 = arith.constant 0 : index
    %get3A_1 = vector.load %arg1[%get3A, %get3A_0] : memref<32x65536xf32, #tpu.memory_space<vmem>>, vector<32x65536xf32>
    %slice3A = vector.extract_strided_slice %get3A_1 {offsets = [0, 0], sizes = [32, 128], strides = [1, 1]} : vector<32x65536xf32> to vector<32x128xf32>
    %slice3A_2 = vector.extract_strided_slice %get3A_1 {offsets = [0, 128], sizes = [32, 128], strides = [1, 1]} : vector<32x65536xf32> to vector<32x128xf32>
    %slice3A_3 = vector.extract_strided_slice %get3A_1 {offsets = [0, 256], sizes = [32, 128], strides = [1, 1]} : vector<32x65536xf32> to vector<32x128xf32>
    %slice3A_4 = vector.extract_strided_slice %get3A_1 {offsets = [0, 384], sizes = [32, 128], strides = [1, 1]} : vector<32x65536xf32> to vector<32x128xf32>
    %concatenate3A = tpu.concatenate %slice3A, %slice3A_2, %slice3A_3, %slice3A_4 in 0 : vector<32x128xf32>, vector<32x128xf32>, vector<32x128xf32>, vector<32x128xf32> -> vector<128x128xf32>
    %transpose3A = tpu.transpose %concatenate3A, [1, 0] : vector<128x128xf32> -> vector<128x128xf32>
    %swap3A = arith.constant 0 : index
    %swap3A_5 = arith.constant 0 : index
    %swap3A_6 = vector.load %arg2[%swap3A, %swap3A_5] : memref<16384x128xf32, #tpu.memory_space<vmem>>, vector<128x128xf32>
    tpu.vector_store %arg2[%swap3A, %swap3A_5], %transpose3A {strides = array<i32>} : memref<16384x128xf32, #tpu.memory_space<vmem>>, vector<128x128xf32>,
    %slice3A_7 = vector.extract_strided_slice %get3A_1 {offsets = [0, 512], sizes = [32, 128], strides = [1, 1]} : vector<32x65536xf32> to vector<32x128xf32>
    %slice3A_8 = vector.extract_strided_slice %get3A_1 {offsets = [0, 640], sizes = [32, 128], strides = [1, 1]} : vector<32x65536xf32> to vector<32x128xf32>
    %slice3A_9 = vector.extract_strided_slice %get3A_1 {offsets = [0, 768], sizes = [32, 128], strides = [1, 1]} : vector<32x65536xf32> to vector<32x128xf32>
    %slice3A_10 = vector.extract_strided_slice %get3A_1 {offsets = [0, 896], sizes = [32, 128], strides = [1, 1]} : vector<32x65536xf32> to vector<32x128xf32>
    %concatenate3A_11 = tpu.concatenate %slice3A_7, %slice3A_8, %slice3A_9, %slice3A_10 in 0 : vector<32x128xf32>, vector<32x128xf32>, vector<32x128xf32>, vector<32x128xf32> -> vector<128x128xf32>
    %transpose3A_12 = tpu.transpose %concatenate3A_11, [1, 0] : vector<128x128xf32> -> vector<128x128xf32>
    %swap3A_13 = arith.constant 128 : index
    %swap3A_14 = arith.constant 0 : index
    %swap3A_15 = vector.load %arg2[%swap3A_13, %swap3A_14] : memref<16384x128xf32, #tpu.memory_space<vmem>>, vector<128x128xf32>
    tpu.vector_store %arg2[%swap3A_13, %swap3A_14], %transpose3A_12 {strides = array<i32>} : memref<16384x128xf32, #tpu.memory_space<vmem>>, vector<128x128xf32>,
    %slice3A_16 = vector.extract_strided_slice %get3A_1 {offsets = [0, 1024], sizes = [32, 128], strides = [1, 1]} : vector<32x65536xf32> to vector<32x128xf32>
    %slice3A_17 = vector.extract_strided_slice %get3A_1 {offsets = [0, 1152], sizes = [32, 128], strides = [1, 1]} : vector<32x65536xf32> to vector<32x128xf32>
    %slice3A_18 = vector.extract_strided_slice %get3A_1 {offsets = [0, 1280], sizes = [32, 128], strides = [1, 1]} : vector<32x65536xf32> to vector<32x128xf32>
    %slice3A_19 = vector.extract_strided_slice %get3A_1 {offsets = [0, 1408], sizes = [32, 128], strides = [1, 1]} : vector<32x65536xf32> to vector<32x128xf32>
    %concatenate3A_20 = tpu.concatenate %slice3A_16, %slice3A_17, %slice3A_18, %slice3A_19 in 0 : vector<32x128xf32>, vector<32x128xf32>, vector<32x128xf32>, vector<32x128xf32> -> vector<128x128xf32>
    %transpose3A_21 = tpu.transpose %concatenate3A_20, [1, 0] : vector<128x128xf32> -> vector<128x128xf32>
    %swap3A_22 = arith.constant 256 : index
    %swap3A_23 = arith.constant 0 : index
    %swap3A_24 = vector.load %arg2[%swap3A_22, %swap3A_23] : memref<16384x128xf32, #tpu.memory_space<vmem>>, vector<128x128xf32>
    tpu.vector_store %arg2[%swap3A_22, %swap3A_23], %transpose3A_21 {strides = array<i32>} : memref<16384x128xf32, #tpu.memory_space<vmem>>, vector<128x128xf32>,
    %slice3A_25 = vector.extract_strided_slice %get3A_1 {offsets = [0, 1536], sizes = [32, 128], strides = [1, 1]} : vector<32x65536xf32> to vector<32x128xf32>
    %slice3A_26 = vector.extract_strided_slice %get3A_1 {offsets = [0, 1664], sizes = [32, 128], strides = [1, 1]} : vector<32x65536xf32> to vector<32x128xf32>
    %slice3A_27 = vector.extract_strided_slice %get3A_1 {offsets = [0, 1792], sizes = [32, 128], strides = [1, 1]} : vector<32x65536xf32> to vector<32x128xf32>
    %slice3A_28 = vector.extract_strided_slice %get3A_1 {offsets = [0, 1920], sizes = [32, 128], strides = [1, 1]} : vector<32x65536xf32> to vector<32x128xf32>
    %concatenate3A_29 = tpu.concatenate %slice3A_25, %slice3A_26, %slice3A_27, %slice3A_28 in 0 : vector<32x128xf32>, vector<32x128xf32>, vector<32x128xf32>, vector<32x128xf32> -> vector<128x128xf32>
    %transpose3A_30 = tpu.transpose %concatenate3A_29, [1, 0] : vector<128x128xf32> -> vector<128x128xf32>
    %swap3A_31 = arith.constant 384 : index
    %swap3A_32 = arith.constant 0 : index
    %swap3A_33 = vector.load %arg2[%swap3A_31, %swap3A_32] : memref<16384x128xf32, #tpu.memory_space<vmem>>, vector<128x128xf32>
    tpu.vector_store %arg2[%swap3A_31, %swap3A_32], %transpose3A_30 {strides = array<i32>} : memref<16384x128xf32, #tpu.memory_space<vmem>>, vector<128x128xf32>,
    %slice3A_34 = vector.extract_strided_slice %get3A_1 {offsets = [0, 2048], sizes = [32, 128], strides = [1, 1]} : vector<32x65536xf32> to vector<32x128xf32>
    %slice3A_35 = vector.extract_strided_slice %get3A_1 {offsets = [0, 2176], sizes = [32, 128], strides = [1, 1]} : vector<32x65536xf32> to vector<32x128xf32>
    %slice3A_36 = vector.extract_strided_slice %get3A_1 {offsets = [0, 2304], sizes = [32, 128], strides = [1, 1]} : vector<32x65536xf32> to vector<32x128xf32>
    %slice3A_37 = vector.extract_strided_slice %get3A_1 {offsets = [0, 2432], sizes = [32, 128], strides = [1, 1]} : vector<32x65536xf32> to vector<32x128xf32>
    %concatenate3A_38 = tpu.concatenate %slice3A_34, %slice3A_35, %slice3A_36, %slice3A_37 in 0 : vector<32x128xf32>, vector<32x128xf32>, vector<32x128xf32>, vector<32x128xf32> -> vector<128x128xf32>
    %transpose3A_39 = tpu.transpose %concatenate3A_38, [1, 0] : vector<128x128xf32> -> vector<128x128xf32>
    %swap3A_40 = arith.constant 512 : index
    %swap3A_41 = arith.constant 0 : index
    %swap3A_42 = vector.load %arg2[%swap3A_40, %swap3A_41] : memref<16384x128xf32, #tpu.memory_space<vmem>>, vector<128x128xf32>
    tpu.vector_store %arg2[%swap3A_40, %swap3A_41], %transpose3A_39 {strides = array<i32>} : memref<16384x128xf32, #tpu.memory_space<vmem>>, vector<128x128xf32>,
    %slice3A_43 = vector.extract_strided_slice %get3A_1 {offsets = [0, 2560], sizes = [32, 128], strides = [1, 1]} : vector<32x65536xf32> to vector<32x128xf32>
    %slice3A_44 = vector.extract_strided_slice %get3A_1 {offsets = [0, 2688], sizes = [32, 128], strides = [1, 1]} : vector<32x65536xf32> to vector<32x128xf32>
    %slice3A_45 = vector.extract_strided_slice %get3A_1 {offsets = [0, 2816], sizes = [32, 128], strides = [1, 1]} : vector<32x65536xf32> to vector<32x128xf32>
    %slice3A_46 = vector.extract_strided_slice %get3A_1 {offsets = [0, 2944], sizes = [32, 128], strides = [1, 1]} : vector<32x65536xf32> to vector<32x128xf32>
    %concatenate3A_47 = tpu.concatenate %slice3A_43, %slice3A_44, %slice3A_45, %slice3A_46 in 0 : vector<32x128xf32>, vector<32x128xf32>, vector<32x128xf32>, vector<32x128xf32> -> vector<128x128xf32>
    %transpose3A_48 = tpu.transpose %concatenate3A_47, [1, 0] : vector<128x128xf32> -> vector<128x128xf32>
    %swap3A_49 = arith.constant 640 : index
    %swap3A_50 = arith.constant 0 : index
    %swap3A_51 = vector.load %arg2[%swap3A_49, %swap3A_50] : memref<16384x128xf32, #tpu.memory_space<vmem>>, vector<128x128xf32>
    tpu.vector_store %arg2[%swap3A_49, %swap3A_50], %transpose3A_48 {strides = array<i32>} : memref<16384x128xf32, #tpu.memory_space<vmem>>, vector<128x128xf32>,
    %slice3A_52 = vector.extract_strided_slice %get3A_1 {offsets = [0, 3072], sizes = [32, 128], strides = [1, 1]} : vector<32x65536xf32> to vector<32x128xf32>
    %slice3A_53 = vector.extract_strided_slice %get3A_1 {offsets = [0, 3200], sizes = [32, 128], strides = [1, 1]} : vector<32x65536xf32> to vector<32x128xf32>
    %slice3A_54 = vector.extract_strided_slice %get3A_1 {offsets = [0, 3328], sizes = [32, 128], strides = [1, 1]} : vector<32x65536xf32> to vector<32x128xf32>
    %slice3A_55 = vector.extract_strided_slice %get3A_1 {offsets = [0, 3456], sizes = [32, 128], strides = [1, 1]} : vector<32x65536xf32> to vector<32x128xf32>
    %concatenate3A_56 = tpu.concatenate %slice3A_52, %slice3A_53, %slice3A_54, %slice3A_55 in 0 : vector<32x128xf32>, vector<32x128xf32>, vector<32x128xf32>, vector<32x128xf32> -> vector<128x128xf32>
    %transpose3A_57 = tpu.transpose %concatenate3A_56, [1, 0] : vector<128x128xf32> -> vector<128x128xf32>
    %swap3A_58 = arith.constant 768 : index
    %swap3A_59 = arith.constant 0 : index
    %swap3A_60 = vector.load %arg2[%swap3A_58, %swap3A_59] : memref<16384x128xf32, #tpu.memory_space<vmem>>, vector<128x128xf32>
    tpu.vector_store %arg2[%swap3A_58, %swap3A_59], %transpose3A_57 {strides = array<i32>} : memref<16384x128xf32, #tpu.memory_space<vmem>>, vector<128x128xf32>,
    %slice3A_61 = vector.extract_strided_slice %get3A_1 {offsets = [0, 3584], sizes = [32, 128], strides = [1, 1]} : vector<32x65536xf32> to vector<32x128xf32>
    %slice3A_62 = vector.extract_strided_slice %get3A_1 {offsets = [0, 3712], sizes = [32, 128], strides = [1, 1]} : vector<32x65536xf32> to vector<32x128xf32>
    %slice3A_63 = vector.extract_strided_slice %get3A_1 {offsets = [0, 3840], sizes = [32, 128], strides = [1, 1]} : vector<32x65536xf32> to vector<32x128xf32>
    %slice3A_64 = vector.extract_strided_slice %get3A_1 {offsets = [0, 3968], sizes = [32, 128], strides = [1, 1]} : vector<32x65536xf32> to vector<32x128xf32>
    %concatenate3A_65 = tpu.concatenate %slice3A_61, %slice3A_62, %slice3A_63, %slice3A_64 in 0 : vector<32x128xf32>, vector<32x128xf32>, vector<32x128xf32>, vector<32x128xf32> -> vector<128x128xf32>
    %transpose3A_66 = tpu.transpose %concatenate3A_65, [1, 0] : vector<128x128xf32> -> vector<128x128xf32>
    %swap3A_67 = arith.constant 896 : index
    %swap3A_68 = arith.constant 0 : index
    %swap3A_69 = vector.load %arg2[%swap3A_67, %swap3A_68] : memref<16384x128xf32, #tpu.memory_space<vmem>>, vector<128x128xf32>
    tpu.vector_store %arg2[%swap3A_67, %swap3A_68], %transpose3A_66 {strides = array<i32>} : memref<16384x128xf32, #tpu.memory_space<vmem>>, vector<128x128xf32>,
    %slice3A_70 = vector.extract_strided_slice %get3A_1 {offsets = [0, 4096], sizes = [32, 128], strides = [1, 1]} : vector<32x65536xf32> to vector<32x128xf32>
    %slice3A_71 = vector.extract_strided_slice %get3A_1 {offsets = [0, 4224], sizes = [32, 128], strides = [1, 1]} : vector<32x65536xf32> to vector<32x128xf32>
    %slice3A_72 = vector.extract_strided_slice %get3A_1 {offsets = [0, 4352], sizes = [32, 128], strides = [1, 1]} : vector<32x65536xf32> to vector<32x128xf32>
    %slice3A_73 = vector.extract_strided_slice %get3A_1 {offsets = [0, 4480], sizes = [32, 128], strides = [1, 1]} : vector<32x65536xf32> to vector<32x128xf32>
    %concatenate3A_74 = tpu.concatenate %slice3A_70, %slice3A_71, %slice3A_72, %slice3A_73 in 0 : vector<32x128xf32>, vector<32x128xf32>, vector<32x128xf32>, vector<32x128xf32> -> vector<128x128xf32>
    %transpose3A_75 = tpu.transpose %concatenate3A_74, [1, 0] : vector<128x128xf32> -> vector<128x128xf32>
    %swap3A_76 = arith.constant 1024 : index
    %swap3A_77 = arith.constant 0 : index
    %swap3A_78 = vector.load %arg2[%swap3A_76, %swap3A_77] : memref<16384x128xf32, #tpu.memory_space<vmem>>, vector<128x128xf32>
    tpu.vector_store %arg2[%swap3A_76, %swap3A_77], %transpose3A_75 {strides = array<i32>} : memref<16384x128xf32, #tpu.memory_space<vmem>>, vector<128x128xf32>,
    %slice3A_79 = vector.extract_strided_slice %get3A_1 {offsets = [0, 4608], sizes = [32, 128], strides = [1, 1]} : vector<32x65536xf32> to vector<32x128xf32>
    %slice3A_80 = vector.extract_strided_slice %get3A_1 {offsets = [0, 4736], sizes = [32, 128], strides = [1, 1]} : vector<32x65536xf32> to vector<32x128xf32>
    %slice3A_81 = vector.extract_strided_slice %get3A_1 {offsets = [0, 4864], sizes = [32, 128], strides = [1, 1]} : vector<32x65536xf32> to vector<32x128xf32>
    %slice3A_82 = vector.extract_strided_slice %get3A_1 {offsets = [0, 4992], sizes = [32, 128], strides = [1, 1]} : vector<32x65536xf32> to vector<32x128xf32>
    %concatenate3A_83 = tpu.concatenate %slice3A_79, %slice3A_80, %slice3A_81, %slice3A_82 in 0 : vector<32x128xf32>, vector<32x128xf32>, vector<32x128xf32>, vector<32x128xf32> -> vector<128x128xf32>
    %transpose3A_84 = tpu.transpose %concatenate3A_83, [1, 0] : vector<128x128xf32> -> vector<128x128xf32>
    %swap3A_85 = arith.constant 1152 : index
    %swap3A_86 = arith.constant 0 : index
    %swap3A_87 = vector.load %arg2[%swap3A_85, %swap3A_86] : memref<16384x128xf32, #tpu.memory_space<vmem>>, vector<128x128xf32>
    tpu.vector_store %arg2[%swap3A_85, %swap3A_86], %transpose3A_84 {strides = array<i32>} : memref<16384x128xf32, #tpu.memory_space<vmem>>, vector<128x128xf32>,
    %slice3A_88 = vector.extract_strided_slice %get3A_1 {offsets = [0, 5120], sizes = [32, 128], strides = [1, 1]} : vector<32x65536xf32> to vector<32x128xf32>
    %slice3A_89 = vector.extract_strided_slice %get3A_1 {offsets = [0, 5248], sizes = [32, 128], strides = [1, 1]} : vector<32x65536xf32> to vector<32x128xf32>
    %slice3A_90 = vector.extract_strided_slice %get3A_1 {offsets = [0, 5376], sizes = [32, 128], strides = [1, 1]} : vector<32x65536xf32> to vector<32x128xf32>
    %slice3A_91 = vector.extract_strided_slice %get3A_1 {offsets = [0, 5504], sizes = [32, 128], strides = [1, 1]} : vector<32x65536xf32> to vector<32x128xf32>
    %concatenate3A_92 = tpu.concatenate %slice3A_88, %slice3A_89, %slice3A_90, %slice3A_91 in 0 : vector<32x128xf32>, vector<32x128xf32>, vector<32x128xf32>, vector<32x128xf32> -> vector<128x128xf32>
    %transpose3A_93 = tpu.transpose %concatenate3A_92, [1, 0] : vector<128x128xf32> -> vector<128x128xf32>
    %swap3A_94 = arith.constant 1280 : index
    %swap3A_95 = arith.constant 0 : index
    %swap3A_96 = vector.load %arg2[%swap3A_94, %swap3A_95] : memref<16384x128xf32, #tpu.memory_space<vmem>>, vector<128x128xf32>
    tpu.vector_store %arg2[%swap3A_94, %swap3A_95], %transpose3A_93 {strides = array<i32>} : memref<16384x128xf32, #tpu.memory_space<vmem>>, vector<128x128xf32>,
    %slice3A_97 = vector.extract_strided_slice %get3A_1 {offsets = [0, 5632], sizes = [32, 128], strides = [1, 1]} : vector<32x65536xf32> to vector<32x128xf32>
    %slice3A_98 = vector.extract_strided_slice %get3A_1 {offsets = [0, 5760], sizes = [32, 128], strides = [1, 1]} : vector<32x65536xf32> to vector<32x128xf32>
    %slice3A_99 = vector.extract_strided_slice %get3A_1 {offsets = [0, 5888], sizes = [32, 128], strides = [1, 1]} : vector<32x65536xf32> to vector<32x128xf32>
    %slice3A_100 = vector.extract_strided_slice %get3A_1 {offsets = [0, 6016], sizes = [32, 128], strides = [1, 1]} : vector<32x65536xf32> to vector<32x128xf32>
    %concatenate3A_101 = tpu.concatenate %slice3A_97, %slice3A_98, %slice3A_99, %slice3A_100 in 0 : vector<32x128xf32>, vector<32x128xf32>, vector<32x128xf32>, vector<32x128xf32> -> vector<128x128xf32>
    %transpose3A_102 = tpu.transpose %concatenate3A_101, [1, 0] : vector<128x128xf32> -> vector<128x128xf32>
    %swap3A_103 = arith.constant 1408 : index
    %swap3A_104 = arith.constant 0 : index
    %swap3A_105 = vector.load %arg2[%swap3A_103, %swap3A_104] : memref<16384x128xf32, #tpu.memory_space<vmem>>, vector<128x128xf32>
    tpu.vector_store %arg2[%swap3A_103, %swap3A_104], %transpose3A_102 {strides = array<i32>} : memref<16384x128xf32, #tpu.memory_space<vmem>>, vector<128x128xf32>,
    %slice3A_106 = vector.extract_strided_slice %get3A_1 {offsets = [0, 6144], sizes = [32, 128], strides = [1, 1]} : vector<32x65536xf32> to vector<32x128xf32>
    %slice3A_107 = vector.extract_strided_slice %get3A_1 {offsets = [0, 6272], sizes = [32, 128], strides = [1, 1]} : vector<32x65536xf32> to vector<32x128xf32>
    %slice3A_108 = vector.extract_strided_slice %get3A_1 {offsets = [0, 6400], sizes = [32, 128], strides = [1, 1]} : vector<32x65536xf32> to vector<32x128xf32>
    %slice3A_109 = vector.extract_strided_slice %get3A_1 {offsets = [0, 6528], sizes = [32, 128], strides = [1, 1]} : vector<32x65536xf32> to vector<32x128xf32>
    %concatenate3A_110 = tpu.concatenate %slice3A_106, %slice3A_107, %slice3A_108, %slice3A_109 in 0 : vector<32x128xf32>, vector<32x128xf32>, vector<32x128xf32>, vector<32x128xf32> -> vector<128x128xf32>
    %transpose3A_111 = tpu.transpose %concatenate3A_110, [1, 0] : vector<128x128xf32> -> vector<128x128xf32>
    %swap3A_112 = arith.constant 1536 : index
    %swap3A_113 = arith.constant 0 : index
    %swap3A_114 = vector.load %arg2[%swap3A_112, %swap3A_113] : memref<16384x128xf32, #tpu.memory_space<vmem>>, vector<128x128xf32>
    tpu.vector_store %arg2[%swap3A_112, %swap3A_113], %transpose3A_111 {strides = array<i32>} : memref<16384x128xf32, #tpu.memory_space<vmem>>, vector<128x128xf32>,
    %slice3A_115 = vector.extract_strided_slice %get3A_1 {offsets = [0, 6656], sizes = [32, 128], strides = [1, 1]} : vector<32x65536xf32> to vector<32x128xf32>
    %slice3A_116 = vector.extract_strided_slice %get3A_1 {offsets = [0, 6784], sizes = [32, 128], strides = [1, 1]} : vector<32x65536xf32> to vector<32x128xf32>
    %slice3A_117 = vector.extract_strided_slice %get3A_1 {offsets = [0, 6912], sizes = [32, 128], strides = [1, 1]} : vector<32x65536xf32> to vector<32x128xf32>
    %slice3A_118 = vector.extract_strided_slice %get3A_1 {offsets = [0, 7040], sizes = [32, 128], strides = [1, 1]} : vector<32x65536xf32> to vector<32x128xf32>
    %concatenate3A_119 = tpu.concatenate %slice3A_115, %slice3A_116, %slice3A_117, %slice3A_118 in 0 : vector<32x128xf32>, vector<32x128xf32>, vector<32x128xf32>, vector<32x128xf32> -> vector<128x128xf32>
    %transpose3A_120 = tpu.transpose %concatenate3A_119, [1, 0] : vector<128x128xf32> -> vector<128x128xf32>
    %swap3A_121 = arith.constant 1664 : index
    %swap3A_122 = arith.constant 0 : index
    %swap3A_123 = vector.load %arg2[%swap3A_121, %swap3A_122] : memref<16384x128xf32, #tpu.memory_space<vmem>>, vector<128x128xf32>
    tpu.vector_store %arg2[%swap3A_121, %swap3A_122], %transpose3A_120 {strides = array<i32>} : memref<16384x128xf32, #tpu.memory_space<vmem>>, vector<128x128xf32>,
    %slice3A_124 = vector.extract_strided_slice %get3A_1 {offsets = [0, 7168], sizes = [32, 128], strides = [1, 1]} : vector<32x65536xf32> to vector<32x128xf32>
    %slice3A_125 = vector.extract_strided_slice %get3A_1 {offsets = [0, 7296], sizes = [32, 128], strides = [1, 1]} : vector<32x65536xf32> to vector<32x128xf32>
    %slice3A_126 = vector.extract_strided_slice %get3A_1 {offsets = [0, 7424], sizes = [32, 128], strides = [1, 1]} : vector<32x65536xf32> to vector<32x128xf32>
    %slice3A_127 = vector.extract_strided_slice %get3A_1 {offsets = [0, 7552], sizes = [32, 128], strides = [1, 1]} : vector<32x65536xf32> to vector<32x128xf32>
    %concatenate3A_128 = tpu.concatenate %slice3A_124, %slice3A_125, %slice3A_126, %slice3A_127 in 0 : vector<32x128xf32>, vector<32x128xf32>, vector<32x128xf32>, vector<32x128xf32> -> vector<128x128xf32>
    %transpose3A_129 = tpu.transpose %concatenate3A_128, [1, 0] : vector<128x128xf32> -> vector<128x128xf32>
    %swap3A_130 = arith.constant 1792 : index
    %swap3A_131 = arith.constant 0 : index
    %swap3A_132 = vector.load %arg2[%swap3A_130, %swap3A_131] : memref<16384x128xf32, #tpu.memory_space<vmem>>, vector<128x128xf32>
    tpu.vector_store %arg2[%swap3A_130, %swap3A_131], %transpose3A_129 {strides = array<i32>} : memref<16384x128xf32, #tpu.memory_space<vmem>>, vector<128x128xf32>,
    %slice3A_133 = vector.extract_strided_slice %get3A_1 {offsets = [0, 7680], sizes = [32, 128], strides = [1, 1]} : vector<32x65536xf32> to vector<32x128xf32>
    %slice3A_134 = vector.extract_strided_slice %get3A_1 {offsets = [0, 7808], sizes = [32, 128], strides = [1, 1]} : vector<32x65536xf32> to vector<32x128xf32>
    %slice3A_135 = vector.extract_strided_slice %get3A_1 {offsets = [0, 7936], sizes = [32, 128], strides = [1, 1]} : vector<32x65536xf32> to vector<32x128xf32>
    %slice3A_136 = vector.extract_strided_slice %get3A_1 {offsets = [0, 8064], sizes = [32, 128], strides = [1, 1]} : vector<32x65536xf32> to vector<32x128xf32>
    %concatenate3A_137 = tpu.concatenate %slice3A_133, %slice3A_134, %slice3A_135, %slice3A_136 in 0 : vector<32x128xf32>, vector<32x128xf32>, vector<32x128xf32>, vector<32x128xf32> -> vector<128x128xf32>
    %transpose3A_138 = tpu.transpose %concatenate3A_137, [1, 0] : vector<128x128xf32> -> vector<128x128xf32>
    %swap3A_139 = arith.constant 1920 : index
    %swap3A_140 = arith.constant 0 : index
    %swap3A_141 = vector.load %arg2[%swap3A_139, %swap3A_140] : memref<16384x128xf32, #tpu.memory_space<vmem>>, vector<128x128xf32>
    tpu.vector_store %arg2[%swap3A_139, %swap3A_140], %transpose3A_138 {strides = array<i32>} : memref<16384x128xf32, #tpu.memory_space<vmem>>, vector<128x128xf32>,
    %slice3A_142 = vector.extract_strided_slice %get3A_1 {offsets = [0, 8192], sizes = [32, 128], strides = [1, 1]} : vector<32x65536xf32> to vector<32x128xf32>
    %slice3A_143 = vector.extract_strided_slice %get3A_1 {offsets = [0, 8320], sizes = [32, 128], strides = [1, 1]} : vector<32x65536xf32> to vector<32x128xf32>
    %slice3A_144 = vector.extract_strided_slice %get3A_1 {offsets = [0, 8448], sizes = [32, 128], strides = [1, 1]} : vector<32x65536xf32> to vector<32x128xf32>
    %slice3A_145 = vector.extract_strided_slice %get3A_1 {offsets = [0, 8576], sizes = [32, 128], strides = [1, 1]} : vector<32x65536xf32> to vector<32x128xf32>
    %concatenate3A_146 = tpu.concatenate %slice3A_142, %slice3A_143, %slice3A_144, %slice3A_145 in 0 : vector<32x128xf32>, vector<32x128xf32>, vector<32x128xf32>, vector<32x128xf32> -> vector<128x128xf32>
    %transpose3A_147 = tpu.transpose %concatenate3A_146, [1, 0] : vector<128x128xf32> -> vector<128x128xf32>
    %swap3A_148 = arith.constant 2048 : index
    %swap3A_149 = arith.constant 0 : index
    %swap3A_150 = vector.load %arg2[%swap3A_148, %swap3A_149] : memref<16384x128xf32, #tpu.memory_space<vmem>>, vector<128x128xf32>
    tpu.vector_store %arg2[%swap3A_148, %swap3A_149], %transpose3A_147 {strides = array<i32>} : memref<16384x128xf32, #tpu.memory_space<vmem>>, vector<128x128xf32>,
    %slice3A_151 = vector.extract_strided_slice %get3A_1 {offsets = [0, 8704], sizes = [32, 128], strides = [1, 1]} : vector<32x65536xf32> to vector<32x128xf32>
    %slice3A_152 = vector.extract_strided_slice %get3A_1 {offsets = [0, 8832], sizes = [32, 128], strides = [1, 1]} : vector<32x65536xf32> to vector<32x128xf32>
    %slice3A_153 = vector.extract_strided_slice %get3A_1 {offsets = [0, 8960], sizes = [32, 128], strides = [1, 1]} : vector<32x65536xf32> to vector<32x128xf32>
    %slice3A_154 = vector.extract_strided_slice %get3A_1 {offsets = [0, 9088], sizes = [32, 128], strides = [1, 1]} : vector<32x65536xf32> to vector<32x128xf32>
    %concatenate3A_155 = tpu.concatenate %slice3A_151, %slice3A_152, %slice3A_153, %slice3A_154 in 0 : vector<32x128xf32>, vector<32x128xf32>, vector<32x128xf32>, vector<32x128xf32> -> vector<128x128xf32>
    %transpose3A_156 = tpu.transpose %concatenate3A_155, [1, 0] : vector<128x128xf32> -> vector<128x128xf32>
    %swap3A_157 = arith.constant 2176 : index
    %swap3A_158 = arith.constant 0 : index
    %swap3A_159 = vector.load %arg2[%swap3A_157, %swap3A_158] : memref<16384x128xf32, #tpu.memory_space<vmem>>, vector<128x128xf32>
    tpu.vector_store %arg2[%swap3A_157, %swap3A_158], %transpose3A_156 {strides = array<i32>} : memref<16384x128xf32, #tpu.memory_space<vmem>>, vector<128x128xf32>,
    %slice3A_160 = vector.extract_strided_slice %get3A_1 {offsets = [0, 9216], sizes = [32, 128], strides = [1, 1]} : vector<32x65536xf32> to vector<32x128xf32>
    %slice3A_161 = vector.extract_strided_slice %get3A_1 {offsets = [0, 9344], sizes = [32, 128], strides = [1, 1]} : vector<32x65536xf32> to vector<32x128xf32>
    %slice3A_162 = vector.extract_strided_slice %get3A_1 {offsets = [0, 9472], sizes = [32, 128], strides = [1, 1]} : vector<32x65536xf32> to vector<32x128xf32>
    %slice3A_163 = vector.extract_strided_slice %get3A_1 {offsets = [0, 9600], sizes = [32, 128], strides = [1, 1]} : vector<32x65536xf32> to vector<32x128xf32>
    %concatenate3A_164 = tpu.concatenate %slice3A_160, %slice3A_161, %slice3A_162, %slice3A_163 in 0 : vector<32x128xf32>, vector<32x128xf32>, vector<32x128xf32>, vector<32x128xf32> -> vector<128x128xf32>
    %transpose3A_165 = tpu.transpose %concatenate3A_164, [1, 0] : vector<128x128xf32> -> vector<128x128xf32>
    %swap3A_166 = arith.constant 2304 : index
    %swap3A_167 = arith.constant 0 : index
    %swap3A_168 = vector.load %arg2[%swap3A_166, %swap3A_167] : memref<16384x128xf32, #tpu.memory_space<vmem>>, vector<128x128xf32>
    tpu.vector_store %arg2[%swap3A_166, %swap3A_167], %transpose3A_165 {strides = array<i32>} : memref<16384x128xf32, #tpu.memory_space<vmem>>, vector<128x128xf32>,
    %slice3A_169 = vector.extract_strided_slice %get3A_1 {offsets = [0, 9728], sizes = [32, 128], strides = [1, 1]} : vector<32x65536xf32> to vector<32x128xf32>
    %slice3A_170 = vector.extract_strided_slice %get3A_1 {offsets = [0, 9856], sizes = [32, 128], strides = [1, 1]} : vector<32x65536xf32> to vector<32x128xf32>
    %slice3A_171 = vector.extract_strided_slice %get3A_1 {offsets = [0, 9984], sizes = [32, 128], strides = [1, 1]} : vector<32x65536xf32> to vector<32x128xf32>
    %slice3A_172 = vector.extract_strided_slice %get3A_1 {offsets = [0, 10112], sizes = [32, 128], strides = [1, 1]} : vector<32x65536xf32> to vector<32x128xf32>
    %concatenate3A_173 = tpu.concatenate %slice3A_169, %slice3A_170, %slice3A_171, %slice3A_172 in 0 : vector<32x128xf32>, vector<32x128xf32>, vector<32x128xf32>, vector<32x128xf32> -> vector<128x128xf32>
    %transpose3A_174 = tpu.transpose %concatenate3A_173, [1, 0] : vector<128x128xf32> -> vector<128x128xf32>
    %swap3A_175 = arith.constant 2432 : index
    %swap3A_176 = arith.constant 0 : index
    %swap3A_177 = vector.load %arg2[%swap3A_175, %swap3A_176] : memref<16384x128xf32, #tpu.memory_space<vmem>>, vector<128x128xf32>
    tpu.vector_store %arg2[%swap3A_175, %swap3A_176], %transpose3A_174 {strides = array<i32>} : memref<16384x128xf32, #tpu.memory_space<vmem>>, vector<128x128xf32>,
    %slice3A_178 = vector.extract_strided_slice %get3A_1 {offsets = [0, 10240], sizes = [32, 128], strides = [1, 1]} : vector<32x65536xf32> to vector<32x128xf32>
    %slice3A_179 = vector.extract_strided_slice %get3A_1 {offsets = [0, 10368], sizes = [32, 128], strides = [1, 1]} : vector<32x65536xf32> to vector<32x128xf32>
    %slice3A_180 = vector.extract_strided_slice %get3A_1 {offsets = [0, 10496], sizes = [32, 128], strides = [1, 1]} : vector<32x65536xf32> to vector<32x128xf32>
    %slice3A_181 = vector.extract_strided_slice %get3A_1 {offsets = [0, 10624], sizes = [32, 128], strides = [1, 1]} : vector<32x65536xf32> to vector<32x128xf32>
    %concatenate3A_182 = tpu.concatenate %slice3A_178, %slice3A_179, %slice3A_180, %slice3A_181 in 0 : vector<32x128xf32>, vector<32x128xf32>, vector<32x128xf32>, vector<32x128xf32> -> vector<128x128xf32>
    %transpose3A_183 = tpu.transpose %concatenate3A_182, [1, 0] : vector<128x128xf32> -> vector<128x128xf32>
    %swap3A_184 = arith.constant 2560 : index
    %swap3A_185 = arith.constant 0 : index
    %swap3A_186 = vector.load %arg2[%swap3A_184, %swap3A_185] : memref<16384x128xf32, #tpu.memory_space<vmem>>, vector<128x128xf32>
    tpu.vector_store %arg2[%swap3A_184, %swap3A_185], %transpose3A_183 {strides = array<i32>} : memref<16384x128xf32, #tpu.memory_space<vmem>>, vector<128x128xf32>,
    %slice3A_187 = vector.extract_strided_slice %get3A_1 {offsets = [0, 10752], sizes = [32, 128], strides = [1, 1]} : vector<32x65536xf32> to vector<32x128xf32>
    %slice3A_188 = vector.extract_strided_slice %get3A_1 {offsets = [0, 10880], sizes = [32, 128], strides = [1, 1]} : vector<32x65536xf32> to vector<32x128xf32>
    %slice3A_189 = vector.extract_strided_slice %get3A_1 {offsets = [0, 11008], sizes = [32, 128], strides = [1, 1]} : vector<32x65536xf32> to vector<32x128xf32>
    %slice3A_190 = vector.extract_strided_slice %get3A_1 {offsets = [0, 11136], sizes = [32, 128], strides = [1, 1]} : vector<32x65536xf32> to vector<32x128xf32>
    %concatenate3A_191 = tpu.concatenate %slice3A_187, %slice3A_188, %slice3A_189, %slice3A_190 in 0 : vector<32x128xf32>, vector<32x128xf32>, vector<32x128xf32>, vector<32x128xf32> -> vector<128x128xf32>
    %transpose3A_192 = tpu.transpose %concatenate3A_191, [1, 0] : vector<128x128xf32> -> vector<128x128xf32>
    %swap3A_193 = arith.constant 2688 : index
    %swap3A_194 = arith.constant 0 : index
    %swap3A_195 = vector.load %arg2[%swap3A_193, %swap3A_194] : memref<16384x128xf32, #tpu.memory_space<vmem>>, vector<128x128xf32>
    tpu.vector_store %arg2[%swap3A_193, %swap3A_194], %transpose3A_192 {strides = array<i32>} : memref<16384x128xf32, #tpu.memory_space<vmem>>, vector<128x128xf32>,
    %slice3A_196 = vector.extract_strided_slice %get3A_1 {offsets = [0, 11264], sizes = [32, 128], strides = [1, 1]} : vector<32x65536xf32> to vector<32x128xf32>
    %slice3A_197 = vector.extract_strided_slice %get3A_1 {offsets = [0, 11392], sizes = [32, 128], strides = [1, 1]} : vector<32x65536xf32> to vector<32x128xf32>
    %slice3A_198 = vector.extract_strided_slice %get3A_1 {offsets = [0, 11520], sizes = [32, 128], strides = [1, 1]} : vector<32x65536xf32> to vector<32x128xf32>
    %slice3A_199 = vector.extract_strided_slice %get3A_1 {offsets = [0, 11648], sizes = [32, 128], strides = [1, 1]} : vector<32x65536xf32> to vector<32x128xf32>
    %concatenate3A_200 = tpu.concatenate %slice3A_196, %slice3A_197, %slice3A_198, %slice3A_199 in 0 : vector<32x128xf32>, vector<32x128xf32>, vector<32x128xf32>, vector<32x128xf32> -> vector<128x128xf32>
    %transpose3A_201 = tpu.transpose %concatenate3A_200, [1, 0] : vector<128x128xf32> -> vector<128x128xf32>
    %swap3A_202 = arith.constant 2816 : index
    %swap3A_203 = arith.constant 0 : index
    %swap3A_204 = vector.load %arg2[%swap3A_202, %swap3A_203] : memref<16384x128xf32, #tpu.memory_space<vmem>>, vector<128x128xf32>
    tpu.vector_store %arg2[%swap3A_202, %swap3A_203], %transpose3A_201 {strides = array<i32>} : memref<16384x128xf32, #tpu.memory_space<vmem>>, vector<128x128xf32>,
    %slice3A_205 = vector.extract_strided_slice %get3A_1 {offsets = [0, 11776], sizes = [32, 128], strides = [1, 1]} : vector<32x65536xf32> to vector<32x128xf32>
    %slice3A_206 = vector.extract_strided_slice %get3A_1 {offsets = [0, 11904], sizes = [32, 128], strides = [1, 1]} : vector<32x65536xf32> to vector<32x128xf32>
    %slice3A_207 = vector.extract_strided_slice %get3A_1 {offsets = [0, 12032], sizes = [32, 128], strides = [1, 1]} : vector<32x65536xf32> to vector<32x128xf32>
    %slice3A_208 = vector.extract_strided_slice %get3A_1 {offsets = [0, 12160], sizes = [32, 128], strides = [1, 1]} : vector<32x65536xf32> to vector<32x128xf32>
    %concatenate3A_209 = tpu.concatenate %slice3A_205, %slice3A_206, %slice3A_207, %slice3A_208 in 0 : vector<32x128xf32>, vector<32x128xf32>, vector<32x128xf32>, vector<32x128xf32> -> vector<128x128xf32>
    %transpose3A_210 = tpu.transpose %concatenate3A_209, [1, 0] : vector<128x128xf32> -> vector<128x128xf32>
    %swap3A_211 = arith.constant 2944 : index
    %swap3A_212 = arith.constant 0 : index
    %swap3A_213 = vector.load %arg2[%swap3A_211, %swap3A_212] : memref<16384x128xf32, #tpu.memory_space<vmem>>, vector<128x128xf32>
    tpu.vector_store %arg2[%swap3A_211, %swap3A_212], %transpose3A_210 {strides = array<i32>} : memref<16384x128xf32, #tpu.memory_space<vmem>>, vector<128x128xf32>,
    %slice3A_214 = vector.extract_strided_slice %get3A_1 {offsets = [0, 12288], sizes = [32, 128], strides = [1, 1]} : vector<32x65536xf32> to vector<32x128xf32>
    %slice3A_215 = vector.extract_strided_slice %get3A_1 {offsets = [0, 12416], sizes = [32, 128], strides = [1, 1]} : vector<32x65536xf32> to vector<32x128xf32>
    %slice3A_216 = vector.extract_strided_slice %get3A_1 {offsets = [0, 12544], sizes = [32, 128], strides = [1, 1]} : vector<32x65536xf32> to vector<32x128xf32>
    %slice3A_217 = vector.extract_strided_slice %get3A_1 {offsets = [0, 12672], sizes = [32, 128], strides = [1, 1]} : vector<32x65536xf32> to vector<32x128xf32>
    %concatenate3A_218 = tpu.concatenate %slice3A_214, %slice3A_215, %slice3A_216, %slice3A_217 in 0 : vector<32x128xf32>, vector<32x128xf32>, vector<32x128xf32>, vector<32x128xf32> -> vector<128x128xf32>
    %transpose3A_219 = tpu.transpose %concatenate3A_218, [1, 0] : vector<128x128xf32> -> vector<128x128xf32>
    %swap3A_220 = arith.constant 3072 : index
    %swap3A_221 = arith.constant 0 : index
    %swap3A_222 = vector.load %arg2[%swap3A_220, %swap3A_221] : memref<16384x128xf32, #tpu.memory_space<vmem>>, vector<128x128xf32>
    tpu.vector_store %arg2[%swap3A_220, %swap3A_221], %transpose3A_219 {strides = array<i32>} : memref<16384x128xf32, #tpu.memory_space<vmem>>, vector<128x128xf32>,
    %slice3A_223 = vector.extract_strided_slice %get3A_1 {offsets = [0, 12800], sizes = [32, 128], strides = [1, 1]} : vector<32x65536xf32> to vector<32x128xf32>
    %slice3A_224 = vector.extract_strided_slice %get3A_1 {offsets = [0, 12928], sizes = [32, 128], strides = [1, 1]} : vector<32x65536xf32> to vector<32x128xf32>
    %slice3A_225 = vector.extract_strided_slice %get3A_1 {offsets = [0, 13056], sizes = [32, 128], strides = [1, 1]} : vector<32x65536xf32> to vector<32x128xf32>
    %slice3A_226 = vector.extract_strided_slice %get3A_1 {offsets = [0, 13184], sizes = [32, 128], strides = [1, 1]} : vector<32x65536xf32> to vector<32x128xf32>
    %concatenate3A_227 = tpu.concatenate %slice3A_223, %slice3A_224, %slice3A_225, %slice3A_226 in 0 : vector<32x128xf32>, vector<32x128xf32>, vector<32x128xf32>, vector<32x128xf32> -> vector<128x128xf32>
    %transpose3A_228 = tpu.transpose %concatenate3A_227, [1, 0] : vector<128x128xf32> -> vector<128x128xf32>
    %swap3A_229 = arith.constant 3200 : index
    %swap3A_230 = arith.constant 0 : index
    %swap3A_231 = vector.load %arg2[%swap3A_229, %swap3A_230] : memref<16384x128xf32, #tpu.memory_space<vmem>>, vector<128x128xf32>
    tpu.vector_store %arg2[%swap3A_229, %swap3A_230], %transpose3A_228 {strides = array<i32>} : memref<16384x128xf32, #tpu.memory_space<vmem>>, vector<128x128xf32>,
    %slice3A_232 = vector.extract_strided_slice %get3A_1 {offsets = [0, 13312], sizes = [32, 128], strides = [1, 1]} : vector<32x65536xf32> to vector<32x128xf32>
    %slice3A_233 = vector.extract_strided_slice %get3A_1 {offsets = [0, 13440], sizes = [32, 128], strides = [1, 1]} : vector<32x65536xf32> to vector<32x128xf32>
    %slice3A_234 = vector.extract_strided_slice %get3A_1 {offsets = [0, 13568], sizes = [32, 128], strides = [1, 1]} : vector<32x65536xf32> to vector<32x128xf32>
    %slice3A_235 = vector.extract_strided_slice %get3A_1 {offsets = [0, 13696], sizes = [32, 128], strides = [1, 1]} : vector<32x65536xf32> to vector<32x128xf32>
    %concatenate3A_236 = tpu.concatenate %slice3A_232, %slice3A_233, %slice3A_234, %slice3A_235 in 0 : vector<32x128xf32>, vector<32x128xf32>, vector<32x128xf32>, vector<32x128xf32> -> vector<128x128xf32>
    %transpose3A_237 = tpu.transpose %concatenate3A_236, [1, 0] : vector<128x128xf32> -> vector<128x128xf32>
    %swap3A_238 = arith.constant 3328 : index
    %swap3A_239 = arith.constant 0 : index
    %swap3A_240 = vector.load %arg2[%swap3A_238, %swap3A_239] : memref<16384x128xf32, #tpu.memory_space<vmem>>, vector<128x128xf32>
    tpu.vector_store %arg2[%swap3A_238, %swap3A_239], %transpose3A_237 {strides = array<i32>} : memref<16384x128xf32, #tpu.memory_space<vmem>>, vector<128x128xf32>,
    %slice3A_241 = vector.extract_strided_slice %get3A_1 {offsets = [0, 13824], sizes = [32, 128], strides = [1, 1]} : vector<32x65536xf32> to vector<32x128xf32>
    %slice3A_242 = vector.extract_strided_slice %get3A_1 {offsets = [0, 13952], sizes = [32, 128], strides = [1, 1]} : vector<32x65536xf32> to vector<32x128xf32>
    %slice3A_243 = vector.extract_strided_slice %get3A_1 {offsets = [0, 14080], sizes = [32, 128], strides = [1, 1]} : vector<32x65536xf32> to vector<32x128xf32>
    %slice3A_244 = vector.extract_strided_slice %get3A_1 {offsets = [0, 14208], sizes = [32, 128], strides = [1, 1]} : vector<32x65536xf32> to vector<32x128xf32>
    %concatenate3A_245 = tpu.concatenate %slice3A_241, %slice3A_242, %slice3A_243, %slice3A_244 in 0 : vector<32x128xf32>, vector<32x128xf32>, vector<32x128xf32>, vector<32x128xf32> -> vector<128x128xf32>
    %transpose3A_246 = tpu.transpose %concatenate3A_245, [1, 0] : vector<128x128xf32> -> vector<128x128xf32>
    %swap3A_247 = arith.constant 3456 : index
    %swap3A_248 = arith.constant 0 : index
    %swap3A_249 = vector.load %arg2[%swap3A_247, %swap3A_248] : memref<16384x128xf32, #tpu.memory_space<vmem>>, vector<128x128xf32>
    tpu.vector_store %arg2[%swap3A_247, %swap3A_248], %transpose3A_246 {strides = array<i32>} : memref<16384x128xf32, #tpu.memory_space<vmem>>, vector<128x128xf32>,
    %slice3A_250 = vector.extract_strided_slice %get3A_1 {offsets = [0, 14336], sizes = [32, 128], strides = [1, 1]} : vector<32x65536xf32> to vector<32x128xf32>
    %slice3A_251 = vector.extract_strided_slice %get3A_1 {offsets = [0, 14464], sizes = [32, 128], strides = [1, 1]} : vector<32x65536xf32> to vector<32x128xf32>
    %slice3A_252 = vector.extract_strided_slice %get3A_1 {offsets = [0, 14592], sizes = [32, 128], strides = [1, 1]} : vector<32x65536xf32> to vector<32x128xf32>
    %slice3A_253 = vector.extract_strided_slice %get3A_1 {offsets = [0, 14720], sizes = [32, 128], strides = [1, 1]} : vector<32x65536xf32> to vector<32x128xf32>
    %concatenate3A_254 = tpu.concatenate %slice3A_250, %slice3A_251, %slice3A_252, %slice3A_253 in 0 : vector<32x128xf32>, vector<32x128xf32>, vector<32x128xf32>, vector<32x128xf32> -> vector<128x128xf32>
    %transpose3A_255 = tpu.transpose %concatenate3A_254, [1, 0] : vector<128x128xf32> -> vector<128x128xf32>
    %swap3A_256 = arith.constant 3584 : index
    %swap3A_257 = arith.constant 0 : index
    %swap3A_258 = vector.load %arg2[%swap3A_256, %swap3A_257] : memref<16384x128xf32, #tpu.memory_space<vmem>>, vector<128x128xf32>
    tpu.vector_store %arg2[%swap3A_256, %swap3A_257], %transpose3A_255 {strides = array<i32>} : memref<16384x128xf32, #tpu.memory_space<vmem>>, vector<128x128xf32>,
    %slice3A_259 = vector.extract_strided_slice %get3A_1 {offsets = [0, 14848], sizes = [32, 128], strides = [1, 1]} : vector<32x65536xf32> to vector<32x128xf32>
    %slice3A_260 = vector.extract_strided_slice %get3A_1 {offsets = [0, 14976], sizes = [32, 128], strides = [1, 1]} : vector<32x65536xf32> to vector<32x128xf32>
    %slice3A_261 = vector.extract_strided_slice %get3A_1 {offsets = [0, 15104], sizes = [32, 128], strides = [1, 1]} : vector<32x65536xf32> to vector<32x128xf32>
    %slice3A_262 = vector.extract_strided_slice %get3A_1 {offsets = [0, 15232], sizes = [32, 128], strides = [1, 1]} : vector<32x65536xf32> to vector<32x128xf32>
    %concatenate3A_263 = tpu.concatenate %slice3A_259, %slice3A_260, %slice3A_261, %slice3A_262 in 0 : vector<32x128xf32>, vector<32x128xf32>, vector<32x128xf32>, vector<32x128xf32> -> vector<128x128xf32>
    %transpose3A_264 = tpu.transpose %concatenate3A_263, [1, 0] : vector<128x128xf32> -> vector<128x128xf32>
    %swap3A_265 = arith.constant 3712 : index
    %swap3A_266 = arith.constant 0 : index
    %swap3A_267 = vector.load %arg2[%swap3A_265, %swap3A_266] : memref<16384x128xf32, #tpu.memory_space<vmem>>, vector<128x128xf32>
    tpu.vector_store %arg2[%swap3A_265, %swap3A_266], %transpose3A_264 {strides = array<i32>} : memref<16384x128xf32, #tpu.memory_space<vmem>>, vector<128x128xf32>,
    %slice3A_268 = vector.extract_strided_slice %get3A_1 {offsets = [0, 15360], sizes = [32, 128], strides = [1, 1]} : vector<32x65536xf32> to vector<32x128xf32>
    %slice3A_269 = vector.extract_strided_slice %get3A_1 {offsets = [0, 15488], sizes = [32, 128], strides = [1, 1]} : vector<32x65536xf32> to vector<32x128xf32>
    %slice3A_270 = vector.extract_strided_slice %get3A_1 {offsets = [0, 15616], sizes = [32, 128], strides = [1, 1]} : vector<32x65536xf32> to vector<32x128xf32>
    %slice3A_271 = vector.extract_strided_slice %get3A_1 {offsets = [0, 15744], sizes = [32, 128], strides = [1, 1]} : vector<32x65536xf32> to vector<32x128xf32>
    %concatenate3A_272 = tpu.concatenate %slice3A_268, %slice3A_269, %slice3A_270, %slice3A_271 in 0 : vector<32x128xf32>, vector<32x128xf32>, vector<32x128xf32>, vector<32x128xf32> -> vector<128x128xf32>
    %transpose3A_273 = tpu.transpose %concatenate3A_272, [1, 0] : vector<128x128xf32> -> vector<128x128xf32>
    %swap3A_274 = arith.constant 3840 : index
    %swap3A_275 = arith.constant 0 : index
    %swap3A_276 = vector.load %arg2[%swap3A_274, %swap3A_275] : memref<16384x128xf32, #tpu.memory_space<vmem>>, vector<128x128xf32>
    tpu.vector_store %arg2[%swap3A_274, %swap3A_275], %transpose3A_273 {strides = array<i32>} : memref<16384x128xf32, #tpu.memory_space<vmem>>, vector<128x128xf32>,
    %slice3A_277 = vector.extract_strided_slice %get3A_1 {offsets = [0, 15872], sizes = [32, 128], strides = [1, 1]} : vector<32x65536xf32> to vector<32x128xf32>
    %slice3A_278 = vector.extract_strided_slice %get3A_1 {offsets = [0, 16000], sizes = [32, 128], strides = [1, 1]} : vector<32x65536xf32> to vector<32x128xf32>
    %slice3A_279 = vector.extract_strided_slice %get3A_1 {offsets = [0, 16128], sizes = [32, 128], strides = [1, 1]} : vector<32x65536xf32> to vector<32x128xf32>
    %slice3A_280 = vector.extract_strided_slice %get3A_1 {offsets = [0, 16256], sizes = [32, 128], strides = [1, 1]} : vector<32x65536xf32> to vector<32x128xf32>
    %concatenate3A_281 = tpu.concatenate %slice3A_277, %slice3A_278, %slice3A_279, %slice3A_280 in 0 : vector<32x128xf32>, vector<32x128xf32>, vector<32x128xf32>, vector<32x128xf32> -> vector<128x128xf32>
    %transpose3A_282 = tpu.transpose %concatenate3A_281, [1, 0] : vector<128x128xf32> -> vector<128x128xf32>
    %swap3A_283 = arith.constant 3968 : index
    %swap3A_284 = arith.constant 0 : index
    %swap3A_285 = vector.load %arg2[%swap3A_283, %swap3A_284] : memref<16384x128xf32, #tpu.memory_space<vmem>>, vector<128x128xf32>
    tpu.vector_store %arg2[%swap3A_283, %swap3A_284], %transpose3A_282 {strides = array<i32>} : memref<16384x128xf32, #tpu.memory_space<vmem>>, vector<128x128xf32>,
    %slice3A_286 = vector.extract_strided_slice %get3A_1 {offsets = [0, 16384], sizes = [32, 128], strides = [1, 1]} : vector<32x65536xf32> to vector<32x128xf32>
    %slice3A_287 = vector.extract_strided_slice %get3A_1 {offsets = [0, 16512], sizes = [32, 128], strides = [1, 1]} : vector<32x65536xf32> to vector<32x128xf32>
    %slice3A_288 = vector.extract_strided_slice %get3A_1 {offsets = [0, 16640], sizes = [32, 128], strides = [1, 1]} : vector<32x65536xf32> to vector<32x128xf32>
    %slice3A_289 = vector.extract_strided_slice %get3A_1 {offsets = [0, 16768], sizes = [32, 128], strides = [1, 1]} : vector<32x65536xf32> to vector<32x128xf32>
    %concatenate3A_290 = tpu.concatenate %slice3A_286, %slice3A_287, %slice3A_288, %slice3A_289 in 0 : vector<32x128xf32>, vector<32x128xf32>, vector<32x128xf32>, vector<32x128xf32> -> vector<128x128xf32>
    %transpose3A_291 = tpu.transpose %concatenate3A_290, [1, 0] : vector<128x128xf32> -> vector<128x128xf32>
    %swap3A_292 = arith.constant 4096 : index
    %swap3A_293 = arith.constant 0 : index
    %swap3A_294 = vector.load %arg2[%swap3A_292, %swap3A_293] : memref<16384x128xf32, #tpu.memory_space<vmem>>, vector<128x128xf32>
    tpu.vector_store %arg2[%swap3A_292, %swap3A_293], %transpose3A_291 {strides = array<i32>} : memref<16384x128xf32, #tpu.memory_space<vmem>>, vector<128x128xf32>,
    %slice3A_295 = vector.extract_strided_slice %get3A_1 {offsets = [0, 16896], sizes = [32, 128], strides = [1, 1]} : vector<32x65536xf32> to vector<32x128xf32>
    %slice3A_296 = vector.extract_strided_slice %get3A_1 {offsets = [0, 17024], sizes = [32, 128], strides = [1, 1]} : vector<32x65536xf32> to vector<32x128xf32>
    %slice3A_297 = vector.extract_strided_slice %get3A_1 {offsets = [0, 17152], sizes = [32, 128], strides = [1, 1]} : vector<32x65536xf32> to vector<32x128xf32>
    %slice3A_298 = vector.extract_strided_slice %get3A_1 {offsets = [0, 17280], sizes = [32, 128], strides = [1, 1]} : vector<32x65536xf32> to vector<32x128xf32>
    %concatenate3A_299 = tpu.concatenate %slice3A_295, %slice3A_296, %slice3A_297, %slice3A_298 in 0 : vector<32x128xf32>, vector<32x128xf32>, vector<32x128xf32>, vector<32x128xf32> -> vector<128x128xf32>
    %transpose3A_300 = tpu.transpose %concatenate3A_299, [1, 0] : vector<128x128xf32> -> vector<128x128xf32>
    %swap3A_301 = arith.constant 4224 : index
    %swap3A_302 = arith.constant 0 : index
    %swap3A_303 = vector.load %arg2[%swap3A_301, %swap3A_302] : memref<16384x128xf32, #tpu.memory_space<vmem>>, vector<128x128xf32>
    tpu.vector_store %arg2[%swap3A_301, %swap3A_302], %transpose3A_300 {strides = array<i32>} : memref<16384x128xf32, #tpu.memory_space<vmem>>, vector<128x128xf32>,
    %slice3A_304 = vector.extract_strided_slice %get3A_1 {offsets = [0, 17408], sizes = [32, 128], strides = [1, 1]} : vector<32x65536xf32> to vector<32x128xf32>
    %slice3A_305 = vector.extract_strided_slice %get3A_1 {offsets = [0, 17536], sizes = [32, 128], strides = [1, 1]} : vector<32x65536xf32> to vector<32x128xf32>
    %slice3A_306 = vector.extract_strided_slice %get3A_1 {offsets = [0, 17664], sizes = [32, 128], strides = [1, 1]} : vector<32x65536xf32> to vector<32x128xf32>
    %slice3A_307 = vector.extract_strided_slice %get3A_1 {offsets = [0, 17792], sizes = [32, 128], strides = [1, 1]} : vector<32x65536xf32> to vector<32x128xf32>
    %concatenate3A_308 = tpu.concatenate %slice3A_304, %slice3A_305, %slice3A_306, %slice3A_307 in 0 : vector<32x128xf32>, vector<32x128xf32>, vector<32x128xf32>, vector<32x128xf32> -> vector<128x128xf32>
    %transpose3A_309 = tpu.transpose %concatenate3A_308, [1, 0] : vector<128x128xf32> -> vector<128x128xf32>
    %swap3A_310 = arith.constant 4352 : index
    %swap3A_311 = arith.constant 0 : index
    %swap3A_312 = vector.load %arg2[%swap3A_310, %swap3A_311] : memref<16384x128xf32, #tpu.memory_space<vmem>>, vector<128x128xf32>
    tpu.vector_store %arg2[%swap3A_310, %swap3A_311], %transpose3A_309 {strides = array<i32>} : memref<16384x128xf32, #tpu.memory_space<vmem>>, vector<128x128xf32>,
    %slice3A_313 = vector.extract_strided_slice %get3A_1 {offsets = [0, 17920], sizes = [32, 128], strides = [1, 1]} : vector<32x65536xf32> to vector<32x128xf32>
    %slice3A_314 = vector.extract_strided_slice %get3A_1 {offsets = [0, 18048], sizes = [32, 128], strides = [1, 1]} : vector<32x65536xf32> to vector<32x128xf32>
    %slice3A_315 = vector.extract_strided_slice %get3A_1 {offsets = [0, 18176], sizes = [32, 128], strides = [1, 1]} : vector<32x65536xf32> to vector<32x128xf32>
    %slice3A_316 = vector.extract_strided_slice %get3A_1 {offsets = [0, 18304], sizes = [32, 128], strides = [1, 1]} : vector<32x65536xf32> to vector<32x128xf32>
    %concatenate3A_317 = tpu.concatenate %slice3A_313, %slice3A_314, %slice3A_315, %slice3A_316 in 0 : vector<32x128xf32>, vector<32x128xf32>, vector<32x128xf32>, vector<32x128xf32> -> vector<128x128xf32>
    %transpose3A_318 = tpu.transpose %concatenate3A_317, [1, 0] : vector<128x128xf32> -> vector<128x128xf32>
    %swap3A_319 = arith.constant 4480 : index
    %swap3A_320 = arith.constant 0 : index
    %swap3A_321 = vector.load %arg2[%swap3A_319, %swap3A_320] : memref<16384x128xf32, #tpu.memory_space<vmem>>, vector<128x128xf32>
    tpu.vector_store %arg2[%swap3A_319, %swap3A_320], %transpose3A_318 {strides = array<i32>} : memref<16384x128xf32, #tpu.memory_space<vmem>>, vector<128x128xf32>,
    %slice3A_322 = vector.extract_strided_slice %get3A_1 {offsets = [0, 18432], sizes = [32, 128], strides = [1, 1]} : vector<32x65536xf32> to vector<32x128xf32>
    %slice3A_323 = vector.extract_strided_slice %get3A_1 {offsets = [0, 18560], sizes = [32, 128], strides = [1, 1]} : vector<32x65536xf32> to vector<32x128xf32>
    %slice3A_324 = vector.extract_strided_slice %get3A_1 {offsets = [0, 18688], sizes = [32, 128], strides = [1, 1]} : vector<32x65536xf32> to vector<32x128xf32>
    %slice3A_325 = vector.extract_strided_slice %get3A_1 {offsets = [0, 18816], sizes = [32, 128], strides = [1, 1]} : vector<32x65536xf32> to vector<32x128xf32>
    %concatenate3A_326 = tpu.concatenate %slice3A_322, %slice3A_323, %slice3A_324, %slice3A_325 in 0 : vector<32x128xf32>, vector<32x128xf32>, vector<32x128xf32>, vector<32x128xf32> -> vector<128x128xf32>
    %transpose3A_327 = tpu.transpose %concatenate3A_326, [1, 0] : vector<128x128xf32> -> vector<128x128xf32>
    %swap3A_328 = arith.constant 4608 : index
    %swap3A_329 = arith.constant 0 : index
    %swap3A_330 = vector.load %arg2[%swap3A_328, %swap3A_329] : memref<16384x128xf32, #tpu.memory_space<vmem>>, vector<128x128xf32>
    tpu.vector_store %arg2[%swap3A_328, %swap3A_329], %transpose3A_327 {strides = array<i32>} : memref<16384x128xf32, #tpu.memory_space<vmem>>, vector<128x128xf32>,
    %slice3A_331 = vector.extract_strided_slice %get3A_1 {offsets = [0, 18944], sizes = [32, 128], strides = [1, 1]} : vector<32x65536xf32> to vector<32x128xf32>
    %slice3A_332 = vector.extract_strided_slice %get3A_1 {offsets = [0, 19072], sizes = [32, 128], strides = [1, 1]} : vector<32x65536xf32> to vector<32x128xf32>
    %slice3A_333 = vector.extract_strided_slice %get3A_1 {offsets = [0, 19200], sizes = [32, 128], strides = [1, 1]} : vector<32x65536xf32> to vector<32x128xf32>
    %slice3A_334 = vector.extract_strided_slice %get3A_1 {offsets = [0, 19328], sizes = [32, 128], strides = [1, 1]} : vector<32x65536xf32> to vector<32x128xf32>
    %concatenate3A_335 = tpu.concatenate %slice3A_331, %slice3A_332, %slice3A_333, %slice3A_334 in 0 : vector<32x128xf32>, vector<32x128xf32>, vector<32x128xf32>, vector<32x128xf32> -> vector<128x128xf32>
    %transpose3A_336 = tpu.transpose %concatenate3A_335, [1, 0] : vector<128x128xf32> -> vector<128x128xf32>
    %swap3A_337 = arith.constant 4736 : index
    %swap3A_338 = arith.constant 0 : index
    %swap3A_339 = vector.load %arg2[%swap3A_337, %swap3A_338] : memref<16384x128xf32, #tpu.memory_space<vmem>>, vector<128x128xf32>
    tpu.vector_store %arg2[%swap3A_337, %swap3A_338], %transpose3A_336 {strides = array<i32>} : memref<16384x128xf32, #tpu.memory_space<vmem>>, vector<128x128xf32>,
    %slice3A_340 = vector.extract_strided_slice %get3A_1 {offsets = [0, 19456], sizes = [32, 128], strides = [1, 1]} : vector<32x65536xf32> to vector<32x128xf32>
    %slice3A_341 = vector.extract_strided_slice %get3A_1 {offsets = [0, 19584], sizes = [32, 128], strides = [1, 1]} : vector<32x65536xf32> to vector<32x128xf32>
    %slice3A_342 = vector.extract_strided_slice %get3A_1 {offsets = [0, 19712], sizes = [32, 128], strides = [1, 1]} : vector<32x65536xf32> to vector<32x128xf32>
    %slice3A_343 = vector.extract_strided_slice %get3A_1 {offsets = [0, 19840], sizes = [32, 128], strides = [1, 1]} : vector<32x65536xf32> to vector<32x128xf32>
    %concatenate3A_344 = tpu.concatenate %slice3A_340, %slice3A_341, %slice3A_342, %slice3A_343 in 0 : vector<32x128xf32>, vector<32x128xf32>, vector<32x128xf32>, vector<32x128xf32> -> vector<128x128xf32>
    %transpose3A_345 = tpu.transpose %concatenate3A_344, [1, 0] : vector<128x128xf32> -> vector<128x128xf32>
    %swap3A_346 = arith.constant 4864 : index
    %swap3A_347 = arith.constant 0 : index
    %swap3A_348 = vector.load %arg2[%swap3A_346, %swap3A_347] : memref<16384x128xf32, #tpu.memory_space<vmem>>, vector<128x128xf32>
    tpu.vector_store %arg2[%swap3A_346, %swap3A_347], %transpose3A_345 {strides = array<i32>} : memref<16384x128xf32, #tpu.memory_space<vmem>>, vector<128x128xf32>,
    %slice3A_349 = vector.extract_strided_slice %get3A_1 {offsets = [0, 19968], sizes = [32, 128], strides = [1, 1]} : vector<32x65536xf32> to vector<32x128xf32>
    %slice3A_350 = vector.extract_strided_slice %get3A_1 {offsets = [0, 20096], sizes = [32, 128], strides = [1, 1]} : vector<32x65536xf32> to vector<32x128xf32>
    %slice3A_351 = vector.extract_strided_slice %get3A_1 {offsets = [0, 20224], sizes = [32, 128], strides = [1, 1]} : vector<32x65536xf32> to vector<32x128xf32>
    %slice3A_352 = vector.extract_strided_slice %get3A_1 {offsets = [0, 20352], sizes = [32, 128], strides = [1, 1]} : vector<32x65536xf32> to vector<32x128xf32>
    %concatenate3A_353 = tpu.concatenate %slice3A_349, %slice3A_350, %slice3A_351, %slice3A_352 in 0 : vector<32x128xf32>, vector<32x128xf32>, vector<32x128xf32>, vector<32x128xf32> -> vector<128x128xf32>
    %transpose3A_354 = tpu.transpose %concatenate3A_353, [1, 0] : vector<128x128xf32> -> vector<128x128xf32>
    %swap3A_355 = arith.constant 4992 : index
    %swap3A_356 = arith.constant 0 : index
    %swap3A_357 = vector.load %arg2[%swap3A_355, %swap3A_356] : memref<16384x128xf32, #tpu.memory_space<vmem>>, vector<128x128xf32>
    tpu.vector_store %arg2[%swap3A_355, %swap3A_356], %transpose3A_354 {strides = array<i32>} : memref<16384x128xf32, #tpu.memory_space<vmem>>, vector<128x128xf32>,
    %slice3A_358 = vector.extract_strided_slice %get3A_1 {offsets = [0, 20480], sizes = [32, 128], strides = [1, 1]} : vector<32x65536xf32> to vector<32x128xf32>
    %slice3A_359 = vector.extract_strided_slice %get3A_1 {offsets = [0, 20608], sizes = [32, 128], strides = [1, 1]} : vector<32x65536xf32> to vector<32x128xf32>
    %slice3A_360 = vector.extract_strided_slice %get3A_1 {offsets = [0, 20736], sizes = [32, 128], strides = [1, 1]} : vector<32x65536xf32> to vector<32x128xf32>
    %slice3A_361 = vector.extract_strided_slice %get3A_1 {offsets = [0, 20864], sizes = [32, 128], strides = [1, 1]} : vector<32x65536xf32> to vector<32x128xf32>
    %concatenate3A_362 = tpu.concatenate %slice3A_358, %slice3A_359, %slice3A_360, %slice3A_361 in 0 : vector<32x128xf32>, vector<32x128xf32>, vector<32x128xf32>, vector<32x128xf32> -> vector<128x128xf32>
    %transpose3A_363 = tpu.transpose %concatenate3A_362, [1, 0] : vector<128x128xf32> -> vector<128x128xf32>
    %swap3A_364 = arith.constant 5120 : index
    %swap3A_365 = arith.constant 0 : index
    %swap3A_366 = vector.load %arg2[%swap3A_364, %swap3A_365] : memref<16384x128xf32, #tpu.memory_space<vmem>>, vector<128x128xf32>
    tpu.vector_store %arg2[%swap3A_364, %swap3A_365], %transpose3A_363 {strides = array<i32>} : memref<16384x128xf32, #tpu.memory_space<vmem>>, vector<128x128xf32>,
    %slice3A_367 = vector.extract_strided_slice %get3A_1 {offsets = [0, 20992], sizes = [32, 128], strides = [1, 1]} : vector<32x65536xf32> to vector<32x128xf32>
    %slice3A_368 = vector.extract_strided_slice %get3A_1 {offsets = [0, 21120], sizes = [32, 128], strides = [1, 1]} : vector<32x65536xf32> to vector<32x128xf32>
    %slice3A_369 = vector.extract_strided_slice %get3A_1 {offsets = [0, 21248], sizes = [32, 128], strides = [1, 1]} : vector<32x65536xf32> to vector<32x128xf32>
    %slice3A_370 = vector.extract_strided_slice %get3A_1 {offsets = [0, 21376], sizes = [32, 128], strides = [1, 1]} : vector<32x65536xf32> to vector<32x128xf32>
    %concatenate3A_371 = tpu.concatenate %slice3A_367, %slice3A_368, %slice3A_369, %slice3A_370 in 0 : vector<32x128xf32>, vector<32x128xf32>, vector<32x128xf32>, vector<32x128xf32> -> vector<128x128xf32>
    %transpose3A_372 = tpu.transpose %concatenate3A_371, [1, 0] : vector<128x128xf32> -> vector<128x128xf32>
    %swap3A_373 = arith.constant 5248 : index
    %swap3A_374 = arith.constant 0 : index
    %swap3A_375 = vector.load %arg2[%swap3A_373, %swap3A_374] : memref<16384x128xf32, #tpu.memory_space<vmem>>, vector<128x128xf32>
    tpu.vector_store %arg2[%swap3A_373, %swap3A_374], %transpose3A_372 {strides = array<i32>} : memref<16384x128xf32, #tpu.memory_space<vmem>>, vector<128x128xf32>,
    %slice3A_376 = vector.extract_strided_slice %get3A_1 {offsets = [0, 21504], sizes = [32, 128], strides = [1, 1]} : vector<32x65536xf32> to vector<32x128xf32>
    %slice3A_377 = vector.extract_strided_slice %get3A_1 {offsets = [0, 21632], sizes = [32, 128], strides = [1, 1]} : vector<32x65536xf32> to vector<32x128xf32>
    %slice3A_378 = vector.extract_strided_slice %get3A_1 {offsets = [0, 21760], sizes = [32, 128], strides = [1, 1]} : vector<32x65536xf32> to vector<32x128xf32>
    %slice3A_379 = vector.extract_strided_slice %get3A_1 {offsets = [0, 21888], sizes = [32, 128], strides = [1, 1]} : vector<32x65536xf32> to vector<32x128xf32>
    %concatenate3A_380 = tpu.concatenate %slice3A_376, %slice3A_377, %slice3A_378, %slice3A_379 in 0 : vector<32x128xf32>, vector<32x128xf32>, vector<32x128xf32>, vector<32x128xf32> -> vector<128x128xf32>
    %transpose3A_381 = tpu.transpose %concatenate3A_380, [1, 0] : vector<128x128xf32> -> vector<128x128xf32>
    %swap3A_382 = arith.constant 5376 : index
    %swap3A_383 = arith.constant 0 : index
    %swap3A_384 = vector.load %arg2[%swap3A_382, %swap3A_383] : memref<16384x128xf32, #tpu.memory_space<vmem>>, vector<128x128xf32>
    tpu.vector_store %arg2[%swap3A_382, %swap3A_383], %transpose3A_381 {strides = array<i32>} : memref<16384x128xf32, #tpu.memory_space<vmem>>, vector<128x128xf32>,
    %slice3A_385 = vector.extract_strided_slice %get3A_1 {offsets = [0, 22016], sizes = [32, 128], strides = [1, 1]} : vector<32x65536xf32> to vector<32x128xf32>
    %slice3A_386 = vector.extract_strided_slice %get3A_1 {offsets = [0, 22144], sizes = [32, 128], strides = [1, 1]} : vector<32x65536xf32> to vector<32x128xf32>
    %slice3A_387 = vector.extract_strided_slice %get3A_1 {offsets = [0, 22272], sizes = [32, 128], strides = [1, 1]} : vector<32x65536xf32> to vector<32x128xf32>
    %slice3A_388 = vector.extract_strided_slice %get3A_1 {offsets = [0, 22400], sizes = [32, 128], strides = [1, 1]} : vector<32x65536xf32> to vector<32x128xf32>
    %concatenate3A_389 = tpu.concatenate %slice3A_385, %slice3A_386, %slice3A_387, %slice3A_388 in 0 : vector<32x128xf32>, vector<32x128xf32>, vector<32x128xf32>, vector<32x128xf32> -> vector<128x128xf32>
    %transpose3A_390 = tpu.transpose %concatenate3A_389, [1, 0] : vector<128x128xf32> -> vector<128x128xf32>
    %swap3A_391 = arith.constant 5504 : index
    %swap3A_392 = arith.constant 0 : index
    %swap3A_393 = vector.load %arg2[%swap3A_391, %swap3A_392] : memref<16384x128xf32, #tpu.memory_space<vmem>>, vector<128x128xf32>
    tpu.vector_store %arg2[%swap3A_391, %swap3A_392], %transpose3A_390 {strides = array<i32>} : memref<16384x128xf32, #tpu.memory_space<vmem>>, vector<128x128xf32>,
    %slice3A_394 = vector.extract_strided_slice %get3A_1 {offsets = [0, 22528], sizes = [32, 128], strides = [1, 1]} : vector<32x65536xf32> to vector<32x128xf32>
    %slice3A_395 = vector.extract_strided_slice %get3A_1 {offsets = [0, 22656], sizes = [32, 128], strides = [1, 1]} : vector<32x65536xf32> to vector<32x128xf32>
    %slice3A_396 = vector.extract_strided_slice %get3A_1 {offsets = [0, 22784], sizes = [32, 128], strides = [1, 1]} : vector<32x65536xf32> to vector<32x128xf32>
    %slice3A_397 = vector.extract_strided_slice %get3A_1 {offsets = [0, 22912], sizes = [32, 128], strides = [1, 1]} : vector<32x65536xf32> to vector<32x128xf32>
    %concatenate3A_398 = tpu.concatenate %slice3A_394, %slice3A_395, %slice3A_396, %slice3A_397 in 0 : vector<32x128xf32>, vector<32x128xf32>, vector<32x128xf32>, vector<32x128xf32> -> vector<128x128xf32>
    %transpose3A_399 = tpu.transpose %concatenate3A_398, [1, 0] : vector<128x128xf32> -> vector<128x128xf32>
    %swap3A_400 = arith.constant 5632 : index
    %swap3A_401 = arith.constant 0 : index
    %swap3A_402 = vector.load %arg2[%swap3A_400, %swap3A_401] : memref<16384x128xf32, #tpu.memory_space<vmem>>, vector<128x128xf32>
    tpu.vector_store %arg2[%swap3A_400, %swap3A_401], %transpose3A_399 {strides = array<i32>} : memref<16384x128xf32, #tpu.memory_space<vmem>>, vector<128x128xf32>,
    %slice3A_403 = vector.extract_strided_slice %get3A_1 {offsets = [0, 23040], sizes = [32, 128], strides = [1, 1]} : vector<32x65536xf32> to vector<32x128xf32>
    %slice3A_404 = vector.extract_strided_slice %get3A_1 {offsets = [0, 23168], sizes = [32, 128], strides = [1, 1]} : vector<32x65536xf32> to vector<32x128xf32>
    %slice3A_405 = vector.extract_strided_slice %get3A_1 {offsets = [0, 23296], sizes = [32, 128], strides = [1, 1]} : vector<32x65536xf32> to vector<32x128xf32>
    %slice3A_406 = vector.extract_strided_slice %get3A_1 {offsets = [0, 23424], sizes = [32, 128], strides = [1, 1]} : vector<32x65536xf32> to vector<32x128xf32>
    %concatenate3A_407 = tpu.concatenate %slice3A_403, %slice3A_404, %slice3A_405, %slice3A_406 in 0 : vector<32x128xf32>, vector<32x128xf32>, vector<32x128xf32>, vector<32x128xf32> -> vector<128x128xf32>
    %transpose3A_408 = tpu.transpose %concatenate3A_407, [1, 0] : vector<128x128xf32> -> vector<128x128xf32>
    %swap3A_409 = arith.constant 5760 : index
    %swap3A_410 = arith.constant 0 : index
    %swap3A_411 = vector.load %arg2[%swap3A_409, %swap3A_410] : memref<16384x128xf32, #tpu.memory_space<vmem>>, vector<128x128xf32>
    tpu.vector_store %arg2[%swap3A_409, %swap3A_410], %transpose3A_408 {strides = array<i32>} : memref<16384x128xf32, #tpu.memory_space<vmem>>, vector<128x128xf32>,
    %slice3A_412 = vector.extract_strided_slice %get3A_1 {offsets = [0, 23552], sizes = [32, 128], strides = [1, 1]} : vector<32x65536xf32> to vector<32x128xf32>
    %slice3A_413 = vector.extract_strided_slice %get3A_1 {offsets = [0, 23680], sizes = [32, 128], strides = [1, 1]} : vector<32x65536xf32> to vector<32x128xf32>
    %slice3A_414 = vector.extract_strided_slice %get3A_1 {offsets = [0, 23808], sizes = [32, 128], strides = [1, 1]} : vector<32x65536xf32> to vector<32x128xf32>
    %slice3A_415 = vector.extract_strided_slice %get3A_1 {offsets = [0, 23936], sizes = [32, 128], strides = [1, 1]} : vector<32x65536xf32> to vector<32x128xf32>
    %concatenate3A_416 = tpu.concatenate %slice3A_412, %slice3A_413, %slice3A_414, %slice3A_415 in 0 : vector<32x128xf32>, vector<32x128xf32>, vector<32x128xf32>, vector<32x128xf32> -> vector<128x128xf32>
    %transpose3A_417 = tpu.transpose %concatenate3A_416, [1, 0] : vector<128x128xf32> -> vector<128x128xf32>
    %swap3A_418 = arith.constant 5888 : index
    %swap3A_419 = arith.constant 0 : index
    %swap3A_420 = vector.load %arg2[%swap3A_418, %swap3A_419] : memref<16384x128xf32, #tpu.memory_space<vmem>>, vector<128x128xf32>
    tpu.vector_store %arg2[%swap3A_418, %swap3A_419], %transpose3A_417 {strides = array<i32>} : memref<16384x128xf32, #tpu.memory_space<vmem>>, vector<128x128xf32>,
    %slice3A_421 = vector.extract_strided_slice %get3A_1 {offsets = [0, 24064], sizes = [32, 128], strides = [1, 1]} : vector<32x65536xf32> to vector<32x128xf32>
    %slice3A_422 = vector.extract_strided_slice %get3A_1 {offsets = [0, 24192], sizes = [32, 128], strides = [1, 1]} : vector<32x65536xf32> to vector<32x128xf32>
    %slice3A_423 = vector.extract_strided_slice %get3A_1 {offsets = [0, 24320], sizes = [32, 128], strides = [1, 1]} : vector<32x65536xf32> to vector<32x128xf32>
    %slice3A_424 = vector.extract_strided_slice %get3A_1 {offsets = [0, 24448], sizes = [32, 128], strides = [1, 1]} : vector<32x65536xf32> to vector<32x128xf32>
    %concatenate3A_425 = tpu.concatenate %slice3A_421, %slice3A_422, %slice3A_423, %slice3A_424 in 0 : vector<32x128xf32>, vector<32x128xf32>, vector<32x128xf32>, vector<32x128xf32> -> vector<128x128xf32>
    %transpose3A_426 = tpu.transpose %concatenate3A_425, [1, 0] : vector<128x128xf32> -> vector<128x128xf32>
    %swap3A_427 = arith.constant 6016 : index
    %swap3A_428 = arith.constant 0 : index
    %swap3A_429 = vector.load %arg2[%swap3A_427, %swap3A_428] : memref<16384x128xf32, #tpu.memory_space<vmem>>, vector<128x128xf32>
    tpu.vector_store %arg2[%swap3A_427, %swap3A_428], %transpose3A_426 {strides = array<i32>} : memref<16384x128xf32, #tpu.memory_space<vmem>>, vector<128x128xf32>,
    %slice3A_430 = vector.extract_strided_slice %get3A_1 {offsets = [0, 24576], sizes = [32, 128], strides = [1, 1]} : vector<32x65536xf32> to vector<32x128xf32>
    %slice3A_431 = vector.extract_strided_slice %get3A_1 {offsets = [0, 24704], sizes = [32, 128], strides = [1, 1]} : vector<32x65536xf32> to vector<32x128xf32>
    %slice3A_432 = vector.extract_strided_slice %get3A_1 {offsets = [0, 24832], sizes = [32, 128], strides = [1, 1]} : vector<32x65536xf32> to vector<32x128xf32>
    %slice3A_433 = vector.extract_strided_slice %get3A_1 {offsets = [0, 24960], sizes = [32, 128], strides = [1, 1]} : vector<32x65536xf32> to vector<32x128xf32>
    %concatenate3A_434 = tpu.concatenate %slice3A_430, %slice3A_431, %slice3A_432, %slice3A_433 in 0 : vector<32x128xf32>, vector<32x128xf32>, vector<32x128xf32>, vector<32x128xf32> -> vector<128x128xf32>
    %transpose3A_435 = tpu.transpose %concatenate3A_434, [1, 0] : vector<128x128xf32> -> vector<128x128xf32>
    %swap3A_436 = arith.constant 6144 : index
    %swap3A_437 = arith.constant 0 : index
    %swap3A_438 = vector.load %arg2[%swap3A_436, %swap3A_437] : memref<16384x128xf32, #tpu.memory_space<vmem>>, vector<128x128xf32>
    tpu.vector_store %arg2[%swap3A_436, %swap3A_437], %transpose3A_435 {strides = array<i32>} : memref<16384x128xf32, #tpu.memory_space<vmem>>, vector<128x128xf32>,
    %slice3A_439 = vector.extract_strided_slice %get3A_1 {offsets = [0, 25088], sizes = [32, 128], strides = [1, 1]} : vector<32x65536xf32> to vector<32x128xf32>
    %slice3A_440 = vector.extract_strided_slice %get3A_1 {offsets = [0, 25216], sizes = [32, 128], strides = [1, 1]} : vector<32x65536xf32> to vector<32x128xf32>
    %slice3A_441 = vector.extract_strided_slice %get3A_1 {offsets = [0, 25344], sizes = [32, 128], strides = [1, 1]} : vector<32x65536xf32> to vector<32x128xf32>
    %slice3A_442 = vector.extract_strided_slice %get3A_1 {offsets = [0, 25472], sizes = [32, 128], strides = [1, 1]} : vector<32x65536xf32> to vector<32x128xf32>
    %concatenate3A_443 = tpu.concatenate %slice3A_439, %slice3A_440, %slice3A_441, %slice3A_442 in 0 : vector<32x128xf32>, vector<32x128xf32>, vector<32x128xf32>, vector<32x128xf32> -> vector<128x128xf32>
    %transpose3A_444 = tpu.transpose %concatenate3A_443, [1, 0] : vector<128x128xf32> -> vector<128x128xf32>
    %swap3A_445 = arith.constant 6272 : index
    %swap3A_446 = arith.constant 0 : index
    %swap3A_447 = vector.load %arg2[%swap3A_445, %swap3A_446] : memref<16384x128xf32, #tpu.memory_space<vmem>>, vector<128x128xf32>
    tpu.vector_store %arg2[%swap3A_445, %swap3A_446], %transpose3A_444 {strides = array<i32>} : memref<16384x128xf32, #tpu.memory_space<vmem>>, vector<128x128xf32>,
    %slice3A_448 = vector.extract_strided_slice %get3A_1 {offsets = [0, 25600], sizes = [32, 128], strides = [1, 1]} : vector<32x65536xf32> to vector<32x128xf32>
    %slice3A_449 = vector.extract_strided_slice %get3A_1 {offsets = [0, 25728], sizes = [32, 128], strides = [1, 1]} : vector<32x65536xf32> to vector<32x128xf32>
    %slice3A_450 = vector.extract_strided_slice %get3A_1 {offsets = [0, 25856], sizes = [32, 128], strides = [1, 1]} : vector<32x65536xf32> to vector<32x128xf32>
    %slice3A_451 = vector.extract_strided_slice %get3A_1 {offsets = [0, 25984], sizes = [32, 128], strides = [1, 1]} : vector<32x65536xf32> to vector<32x128xf32>
    %concatenate3A_452 = tpu.concatenate %slice3A_448, %slice3A_449, %slice3A_450, %slice3A_451 in 0 : vector<32x128xf32>, vector<32x128xf32>, vector<32x128xf32>, vector<32x128xf32> -> vector<128x128xf32>
    %transpose3A_453 = tpu.transpose %concatenate3A_452, [1, 0] : vector<128x128xf32> -> vector<128x128xf32>
    %swap3A_454 = arith.constant 6400 : index
    %swap3A_455 = arith.constant 0 : index
    %swap3A_456 = vector.load %arg2[%swap3A_454, %swap3A_455] : memref<16384x128xf32, #tpu.memory_space<vmem>>, vector<128x128xf32>
    tpu.vector_store %arg2[%swap3A_454, %swap3A_455], %transpose3A_453 {strides = array<i32>} : memref<16384x128xf32, #tpu.memory_space<vmem>>, vector<128x128xf32>,
    %slice3A_457 = vector.extract_strided_slice %get3A_1 {offsets = [0, 26112], sizes = [32, 128], strides = [1, 1]} : vector<32x65536xf32> to vector<32x128xf32>
    %slice3A_458 = vector.extract_strided_slice %get3A_1 {offsets = [0, 26240], sizes = [32, 128], strides = [1, 1]} : vector<32x65536xf32> to vector<32x128xf32>
    %slice3A_459 = vector.extract_strided_slice %get3A_1 {offsets = [0, 26368], sizes = [32, 128], strides = [1, 1]} : vector<32x65536xf32> to vector<32x128xf32>
    %slice3A_460 = vector.extract_strided_slice %get3A_1 {offsets = [0, 26496], sizes = [32, 128], strides = [1, 1]} : vector<32x65536xf32> to vector<32x128xf32>
    %concatenate3A_461 = tpu.concatenate %slice3A_457, %slice3A_458, %slice3A_459, %slice3A_460 in 0 : vector<32x128xf32>, vector<32x128xf32>, vector<32x128xf32>, vector<32x128xf32> -> vector<128x128xf32>
    %transpose3A_462 = tpu.transpose %concatenate3A_461, [1, 0] : vector<128x128xf32> -> vector<128x128xf32>
    %swap3A_463 = arith.constant 6528 : index
    %swap3A_464 = arith.constant 0 : index
    %swap3A_465 = vector.load %arg2[%swap3A_463, %swap3A_464] : memref<16384x128xf32, #tpu.memory_space<vmem>>, vector<128x128xf32>
    tpu.vector_store %arg2[%swap3A_463, %swap3A_464], %transpose3A_462 {strides = array<i32>} : memref<16384x128xf32, #tpu.memory_space<vmem>>, vector<128x128xf32>,
    %slice3A_466 = vector.extract_strided_slice %get3A_1 {offsets = [0, 26624], sizes = [32, 128], strides = [1, 1]} : vector<32x65536xf32> to vector<32x128xf32>
    %slice3A_467 = vector.extract_strided_slice %get3A_1 {offsets = [0, 26752], sizes = [32, 128], strides = [1, 1]} : vector<32x65536xf32> to vector<32x128xf32>
    %slice3A_468 = vector.extract_strided_slice %get3A_1 {offsets = [0, 26880], sizes = [32, 128], strides = [1, 1]} : vector<32x65536xf32> to vector<32x128xf32>
    %slice3A_469 = vector.extract_strided_slice %get3A_1 {offsets = [0, 27008], sizes = [32, 128], strides = [1, 1]} : vector<32x65536xf32> to vector<32x128xf32>
    %concatenate3A_470 = tpu.concatenate %slice3A_466, %slice3A_467, %slice3A_468, %slice3A_469 in 0 : vector<32x128xf32>, vector<32x128xf32>, vector<32x128xf32>, vector<32x128xf32> -> vector<128x128xf32>
    %transpose3A_471 = tpu.transpose %concatenate3A_470, [1, 0] : vector<128x128xf32> -> vector<128x128xf32>
    %swap3A_472 = arith.constant 6656 : index
    %swap3A_473 = arith.constant 0 : index
    %swap3A_474 = vector.load %arg2[%swap3A_472, %swap3A_473] : memref<16384x128xf32, #tpu.memory_space<vmem>>, vector<128x128xf32>
    tpu.vector_store %arg2[%swap3A_472, %swap3A_473], %transpose3A_471 {strides = array<i32>} : memref<16384x128xf32, #tpu.memory_space<vmem>>, vector<128x128xf32>,
    %slice3A_475 = vector.extract_strided_slice %get3A_1 {offsets = [0, 27136], sizes = [32, 128], strides = [1, 1]} : vector<32x65536xf32> to vector<32x128xf32>
    %slice3A_476 = vector.extract_strided_slice %get3A_1 {offsets = [0, 27264], sizes = [32, 128], strides = [1, 1]} : vector<32x65536xf32> to vector<32x128xf32>
    %slice3A_477 = vector.extract_strided_slice %get3A_1 {offsets = [0, 27392], sizes = [32, 128], strides = [1, 1]} : vector<32x65536xf32> to vector<32x128xf32>
    %slice3A_478 = vector.extract_strided_slice %get3A_1 {offsets = [0, 27520], sizes = [32, 128], strides = [1, 1]} : vector<32x65536xf32> to vector<32x128xf32>
    %concatenate3A_479 = tpu.concatenate %slice3A_475, %slice3A_476, %slice3A_477, %slice3A_478 in 0 : vector<32x128xf32>, vector<32x128xf32>, vector<32x128xf32>, vector<32x128xf32> -> vector<128x128xf32>
    %transpose3A_480 = tpu.transpose %concatenate3A_479, [1, 0] : vector<128x128xf32> -> vector<128x128xf32>
    %swap3A_481 = arith.constant 6784 : index
    %swap3A_482 = arith.constant 0 : index
    %swap3A_483 = vector.load %arg2[%swap3A_481, %swap3A_482] : memref<16384x128xf32, #tpu.memory_space<vmem>>, vector<128x128xf32>
    tpu.vector_store %arg2[%swap3A_481, %swap3A_482], %transpose3A_480 {strides = array<i32>} : memref<16384x128xf32, #tpu.memory_space<vmem>>, vector<128x128xf32>,
    %slice3A_484 = vector.extract_strided_slice %get3A_1 {offsets = [0, 27648], sizes = [32, 128], strides = [1, 1]} : vector<32x65536xf32> to vector<32x128xf32>
    %slice3A_485 = vector.extract_strided_slice %get3A_1 {offsets = [0, 27776], sizes = [32, 128], strides = [1, 1]} : vector<32x65536xf32> to vector<32x128xf32>
    %slice3A_486 = vector.extract_strided_slice %get3A_1 {offsets = [0, 27904], sizes = [32, 128], strides = [1, 1]} : vector<32x65536xf32> to vector<32x128xf32>
    %slice3A_487 = vector.extract_strided_slice %get3A_1 {offsets = [0, 28032], sizes = [32, 128], strides = [1, 1]} : vector<32x65536xf32> to vector<32x128xf32>
    %concatenate3A_488 = tpu.concatenate %slice3A_484, %slice3A_485, %slice3A_486, %slice3A_487 in 0 : vector<32x128xf32>, vector<32x128xf32>, vector<32x128xf32>, vector<32x128xf32> -> vector<128x128xf32>
    %transpose3A_489 = tpu.transpose %concatenate3A_488, [1, 0] : vector<128x128xf32> -> vector<128x128xf32>
    %swap3A_490 = arith.constant 6912 : index
    %swap3A_491 = arith.constant 0 : index
    %swap3A_492 = vector.load %arg2[%swap3A_490, %swap3A_491] : memref<16384x128xf32, #tpu.memory_space<vmem>>, vector<128x128xf32>
    tpu.vector_store %arg2[%swap3A_490, %swap3A_491], %transpose3A_489 {strides = array<i32>} : memref<16384x128xf32, #tpu.memory_space<vmem>>, vector<128x128xf32>,
    %slice3A_493 = vector.extract_strided_slice %get3A_1 {offsets = [0, 28160], sizes = [32, 128], strides = [1, 1]} : vector<32x65536xf32> to vector<32x128xf32>
    %slice3A_494 = vector.extract_strided_slice %get3A_1 {offsets = [0, 28288], sizes = [32, 128], strides = [1, 1]} : vector<32x65536xf32> to vector<32x128xf32>
    %slice3A_495 = vector.extract_strided_slice %get3A_1 {offsets = [0, 28416], sizes = [32, 128], strides = [1, 1]} : vector<32x65536xf32> to vector<32x128xf32>
    %slice3A_496 = vector.extract_strided_slice %get3A_1 {offsets = [0, 28544], sizes = [32, 128], strides = [1, 1]} : vector<32x65536xf32> to vector<32x128xf32>
    %concatenate3A_497 = tpu.concatenate %slice3A_493, %slice3A_494, %slice3A_495, %slice3A_496 in 0 : vector<32x128xf32>, vector<32x128xf32>, vector<32x128xf32>, vector<32x128xf32> -> vector<128x128xf32>
    %transpose3A_498 = tpu.transpose %concatenate3A_497, [1, 0] : vector<128x128xf32> -> vector<128x128xf32>
    %swap3A_499 = arith.constant 7040 : index
    %swap3A_500 = arith.constant 0 : index
    %swap3A_501 = vector.load %arg2[%swap3A_499, %swap3A_500] : memref<16384x128xf32, #tpu.memory_space<vmem>>, vector<128x128xf32>
    tpu.vector_store %arg2[%swap3A_499, %swap3A_500], %transpose3A_498 {strides = array<i32>} : memref<16384x128xf32, #tpu.memory_space<vmem>>, vector<128x128xf32>,
    %slice3A_502 = vector.extract_strided_slice %get3A_1 {offsets = [0, 28672], sizes = [32, 128], strides = [1, 1]} : vector<32x65536xf32> to vector<32x128xf32>
    %slice3A_503 = vector.extract_strided_slice %get3A_1 {offsets = [0, 28800], sizes = [32, 128], strides = [1, 1]} : vector<32x65536xf32> to vector<32x128xf32>
    %slice3A_504 = vector.extract_strided_slice %get3A_1 {offsets = [0, 28928], sizes = [32, 128], strides = [1, 1]} : vector<32x65536xf32> to vector<32x128xf32>
    %slice3A_505 = vector.extract_strided_slice %get3A_1 {offsets = [0, 29056], sizes = [32, 128], strides = [1, 1]} : vector<32x65536xf32> to vector<32x128xf32>
    %concatenate3A_506 = tpu.concatenate %slice3A_502, %slice3A_503, %slice3A_504, %slice3A_505 in 0 : vector<32x128xf32>, vector<32x128xf32>, vector<32x128xf32>, vector<32x128xf32> -> vector<128x128xf32>
    %transpose3A_507 = tpu.transpose %concatenate3A_506, [1, 0] : vector<128x128xf32> -> vector<128x128xf32>
    %swap3A_508 = arith.constant 7168 : index
    %swap3A_509 = arith.constant 0 : index
    %swap3A_510 = vector.load %arg2[%swap3A_508, %swap3A_509] : memref<16384x128xf32, #tpu.memory_space<vmem>>, vector<128x128xf32>
    tpu.vector_store %arg2[%swap3A_508, %swap3A_509], %transpose3A_507 {strides = array<i32>} : memref<16384x128xf32, #tpu.memory_space<vmem>>, vector<128x128xf32>,
    %slice3A_511 = vector.extract_strided_slice %get3A_1 {offsets = [0, 29184], sizes = [32, 128], strides = [1, 1]} : vector<32x65536xf32> to vector<32x128xf32>
    %slice3A_512 = vector.extract_strided_slice %get3A_1 {offsets = [0, 29312], sizes = [32, 128], strides = [1, 1]} : vector<32x65536xf32> to vector<32x128xf32>
    %slice3A_513 = vector.extract_strided_slice %get3A_1 {offsets = [0, 29440], sizes = [32, 128], strides = [1, 1]} : vector<32x65536xf32> to vector<32x128xf32>
    %slice3A_514 = vector.extract_strided_slice %get3A_1 {offsets = [0, 29568], sizes = [32, 128], strides = [1, 1]} : vector<32x65536xf32> to vector<32x128xf32>
    %concatenate3A_515 = tpu.concatenate %slice3A_511, %slice3A_512, %slice3A_513, %slice3A_514 in 0 : vector<32x128xf32>, vector<32x128xf32>, vector<32x128xf32>, vector<32x128xf32> -> vector<128x128xf32>
    %transpose3A_516 = tpu.transpose %concatenate3A_515, [1, 0] : vector<128x128xf32> -> vector<128x128xf32>
    %swap3A_517 = arith.constant 7296 : index
    %swap3A_518 = arith.constant 0 : index
    %swap3A_519 = vector.load %arg2[%swap3A_517, %swap3A_518] : memref<16384x128xf32, #tpu.memory_space<vmem>>, vector<128x128xf32>
    tpu.vector_store %arg2[%swap3A_517, %swap3A_518], %transpose3A_516 {strides = array<i32>} : memref<16384x128xf32, #tpu.memory_space<vmem>>, vector<128x128xf32>,
    %slice3A_520 = vector.extract_strided_slice %get3A_1 {offsets = [0, 29696], sizes = [32, 128], strides = [1, 1]} : vector<32x65536xf32> to vector<32x128xf32>
    %slice3A_521 = vector.extract_strided_slice %get3A_1 {offsets = [0, 29824], sizes = [32, 128], strides = [1, 1]} : vector<32x65536xf32> to vector<32x128xf32>
    %slice3A_522 = vector.extract_strided_slice %get3A_1 {offsets = [0, 29952], sizes = [32, 128], strides = [1, 1]} : vector<32x65536xf32> to vector<32x128xf32>
    %slice3A_523 = vector.extract_strided_slice %get3A_1 {offsets = [0, 30080], sizes = [32, 128], strides = [1, 1]} : vector<32x65536xf32> to vector<32x128xf32>
    %concatenate3A_524 = tpu.concatenate %slice3A_520, %slice3A_521, %slice3A_522, %slice3A_523 in 0 : vector<32x128xf32>, vector<32x128xf32>, vector<32x128xf32>, vector<32x128xf32> -> vector<128x128xf32>
    %transpose3A_525 = tpu.transpose %concatenate3A_524, [1, 0] : vector<128x128xf32> -> vector<128x128xf32>
    %swap3A_526 = arith.constant 7424 : index
    %swap3A_527 = arith.constant 0 : index
    %swap3A_528 = vector.load %arg2[%swap3A_526, %swap3A_527] : memref<16384x128xf32, #tpu.memory_space<vmem>>, vector<128x128xf32>
    tpu.vector_store %arg2[%swap3A_526, %swap3A_527], %transpose3A_525 {strides = array<i32>} : memref<16384x128xf32, #tpu.memory_space<vmem>>, vector<128x128xf32>,
    %slice3A_529 = vector.extract_strided_slice %get3A_1 {offsets = [0, 30208], sizes = [32, 128], strides = [1, 1]} : vector<32x65536xf32> to vector<32x128xf32>
    %slice3A_530 = vector.extract_strided_slice %get3A_1 {offsets = [0, 30336], sizes = [32, 128], strides = [1, 1]} : vector<32x65536xf32> to vector<32x128xf32>
    %slice3A_531 = vector.extract_strided_slice %get3A_1 {offsets = [0, 30464], sizes = [32, 128], strides = [1, 1]} : vector<32x65536xf32> to vector<32x128xf32>
    %slice3A_532 = vector.extract_strided_slice %get3A_1 {offsets = [0, 30592], sizes = [32, 128], strides = [1, 1]} : vector<32x65536xf32> to vector<32x128xf32>
    %concatenate3A_533 = tpu.concatenate %slice3A_529, %slice3A_530, %slice3A_531, %slice3A_532 in 0 : vector<32x128xf32>, vector<32x128xf32>, vector<32x128xf32>, vector<32x128xf32> -> vector<128x128xf32>
    %transpose3A_534 = tpu.transpose %concatenate3A_533, [1, 0] : vector<128x128xf32> -> vector<128x128xf32>
    %swap3A_535 = arith.constant 7552 : index
    %swap3A_536 = arith.constant 0 : index
    %swap3A_537 = vector.load %arg2[%swap3A_535, %swap3A_536] : memref<16384x128xf32, #tpu.memory_space<vmem>>, vector<128x128xf32>
    tpu.vector_store %arg2[%swap3A_535, %swap3A_536], %transpose3A_534 {strides = array<i32>} : memref<16384x128xf32, #tpu.memory_space<vmem>>, vector<128x128xf32>,
    %slice3A_538 = vector.extract_strided_slice %get3A_1 {offsets = [0, 30720], sizes = [32, 128], strides = [1, 1]} : vector<32x65536xf32> to vector<32x128xf32>
    %slice3A_539 = vector.extract_strided_slice %get3A_1 {offsets = [0, 30848], sizes = [32, 128], strides = [1, 1]} : vector<32x65536xf32> to vector<32x128xf32>
    %slice3A_540 = vector.extract_strided_slice %get3A_1 {offsets = [0, 30976], sizes = [32, 128], strides = [1, 1]} : vector<32x65536xf32> to vector<32x128xf32>
    %slice3A_541 = vector.extract_strided_slice %get3A_1 {offsets = [0, 31104], sizes = [32, 128], strides = [1, 1]} : vector<32x65536xf32> to vector<32x128xf32>
    %concatenate3A_542 = tpu.concatenate %slice3A_538, %slice3A_539, %slice3A_540, %slice3A_541 in 0 : vector<32x128xf32>, vector<32x128xf32>, vector<32x128xf32>, vector<32x128xf32> -> vector<128x128xf32>
    %transpose3A_543 = tpu.transpose %concatenate3A_542, [1, 0] : vector<128x128xf32> -> vector<128x128xf32>
    %swap3A_544 = arith.constant 7680 : index
    %swap3A_545 = arith.constant 0 : index
    %swap3A_546 = vector.load %arg2[%swap3A_544, %swap3A_545] : memref<16384x128xf32, #tpu.memory_space<vmem>>, vector<128x128xf32>
    tpu.vector_store %arg2[%swap3A_544, %swap3A_545], %transpose3A_543 {strides = array<i32>} : memref<16384x128xf32, #tpu.memory_space<vmem>>, vector<128x128xf32>,
    %slice3A_547 = vector.extract_strided_slice %get3A_1 {offsets = [0, 31232], sizes = [32, 128], strides = [1, 1]} : vector<32x65536xf32> to vector<32x128xf32>
    %slice3A_548 = vector.extract_strided_slice %get3A_1 {offsets = [0, 31360], sizes = [32, 128], strides = [1, 1]} : vector<32x65536xf32> to vector<32x128xf32>
    %slice3A_549 = vector.extract_strided_slice %get3A_1 {offsets = [0, 31488], sizes = [32, 128], strides = [1, 1]} : vector<32x65536xf32> to vector<32x128xf32>
    %slice3A_550 = vector.extract_strided_slice %get3A_1 {offsets = [0, 31616], sizes = [32, 128], strides = [1, 1]} : vector<32x65536xf32> to vector<32x128xf32>
    %concatenate3A_551 = tpu.concatenate %slice3A_547, %slice3A_548, %slice3A_549, %slice3A_550 in 0 : vector<32x128xf32>, vector<32x128xf32>, vector<32x128xf32>, vector<32x128xf32> -> vector<128x128xf32>
    %transpose3A_552 = tpu.transpose %concatenate3A_551, [1, 0] : vector<128x128xf32> -> vector<128x128xf32>
    %swap3A_553 = arith.constant 7808 : index
    %swap3A_554 = arith.constant 0 : index
    %swap3A_555 = vector.load %arg2[%swap3A_553, %swap3A_554] : memref<16384x128xf32, #tpu.memory_space<vmem>>, vector<128x128xf32>
    tpu.vector_store %arg2[%swap3A_553, %swap3A_554], %transpose3A_552 {strides = array<i32>} : memref<16384x128xf32, #tpu.memory_space<vmem>>, vector<128x128xf32>,
    %slice3A_556 = vector.extract_strided_slice %get3A_1 {offsets = [0, 31744], sizes = [32, 128], strides = [1, 1]} : vector<32x65536xf32> to vector<32x128xf32>
    %slice3A_557 = vector.extract_strided_slice %get3A_1 {offsets = [0, 31872], sizes = [32, 128], strides = [1, 1]} : vector<32x65536xf32> to vector<32x128xf32>
    %slice3A_558 = vector.extract_strided_slice %get3A_1 {offsets = [0, 32000], sizes = [32, 128], strides = [1, 1]} : vector<32x65536xf32> to vector<32x128xf32>
    %slice3A_559 = vector.extract_strided_slice %get3A_1 {offsets = [0, 32128], sizes = [32, 128], strides = [1, 1]} : vector<32x65536xf32> to vector<32x128xf32>
    %concatenate3A_560 = tpu.concatenate %slice3A_556, %slice3A_557, %slice3A_558, %slice3A_559 in 0 : vector<32x128xf32>, vector<32x128xf32>, vector<32x128xf32>, vector<32x128xf32> -> vector<128x128xf32>
    %transpose3A_561 = tpu.transpose %concatenate3A_560, [1, 0] : vector<128x128xf32> -> vector<128x128xf32>
    %swap3A_562 = arith.constant 7936 : index
    %swap3A_563 = arith.constant 0 : index
    %swap3A_564 = vector.load %arg2[%swap3A_562, %swap3A_563] : memref<16384x128xf32, #tpu.memory_space<vmem>>, vector<128x128xf32>
    tpu.vector_store %arg2[%swap3A_562, %swap3A_563], %transpose3A_561 {strides = array<i32>} : memref<16384x128xf32, #tpu.memory_space<vmem>>, vector<128x128xf32>,
    %slice3A_565 = vector.extract_strided_slice %get3A_1 {offsets = [0, 32256], sizes = [32, 128], strides = [1, 1]} : vector<32x65536xf32> to vector<32x128xf32>
    %slice3A_566 = vector.extract_strided_slice %get3A_1 {offsets = [0, 32384], sizes = [32, 128], strides = [1, 1]} : vector<32x65536xf32> to vector<32x128xf32>
    %slice3A_567 = vector.extract_strided_slice %get3A_1 {offsets = [0, 32512], sizes = [32, 128], strides = [1, 1]} : vector<32x65536xf32> to vector<32x128xf32>
    %slice3A_568 = vector.extract_strided_slice %get3A_1 {offsets = [0, 32640], sizes = [32, 128], strides = [1, 1]} : vector<32x65536xf32> to vector<32x128xf32>
    %concatenate3A_569 = tpu.concatenate %slice3A_565, %slice3A_566, %slice3A_567, %slice3A_568 in 0 : vector<32x128xf32>, vector<32x128xf32>, vector<32x128xf32>, vector<32x128xf32> -> vector<128x128xf32>
    %transpose3A_570 = tpu.transpose %concatenate3A_569, [1, 0] : vector<128x128xf32> -> vector<128x128xf32>
    %swap3A_571 = arith.constant 8064 : index
    %swap3A_572 = arith.constant 0 : index
    %swap3A_573 = vector.load %arg2[%swap3A_571, %swap3A_572] : memref<16384x128xf32, #tpu.memory_space<vmem>>, vector<128x128xf32>
    tpu.vector_store %arg2[%swap3A_571, %swap3A_572], %transpose3A_570 {strides = array<i32>} : memref<16384x128xf32, #tpu.memory_space<vmem>>, vector<128x128xf32>,
    %slice3A_574 = vector.extract_strided_slice %get3A_1 {offsets = [0, 32768], sizes = [32, 128], strides = [1, 1]} : vector<32x65536xf32> to vector<32x128xf32>
    %slice3A_575 = vector.extract_strided_slice %get3A_1 {offsets = [0, 32896], sizes = [32, 128], strides = [1, 1]} : vector<32x65536xf32> to vector<32x128xf32>
    %slice3A_576 = vector.extract_strided_slice %get3A_1 {offsets = [0, 33024], sizes = [32, 128], strides = [1, 1]} : vector<32x65536xf32> to vector<32x128xf32>
    %slice3A_577 = vector.extract_strided_slice %get3A_1 {offsets = [0, 33152], sizes = [32, 128], strides = [1, 1]} : vector<32x65536xf32> to vector<32x128xf32>
    %concatenate3A_578 = tpu.concatenate %slice3A_574, %slice3A_575, %slice3A_576, %slice3A_577 in 0 : vector<32x128xf32>, vector<32x128xf32>, vector<32x128xf32>, vector<32x128xf32> -> vector<128x128xf32>
    %transpose3A_579 = tpu.transpose %concatenate3A_578, [1, 0] : vector<128x128xf32> -> vector<128x128xf32>
    %swap3A_580 = arith.constant 8192 : index
    %swap3A_581 = arith.constant 0 : index
    %swap3A_582 = vector.load %arg2[%swap3A_580, %swap3A_581] : memref<16384x128xf32, #tpu.memory_space<vmem>>, vector<128x128xf32>
    tpu.vector_store %arg2[%swap3A_580, %swap3A_581], %transpose3A_579 {strides = array<i32>} : memref<16384x128xf32, #tpu.memory_space<vmem>>, vector<128x128xf32>,
    %slice3A_583 = vector.extract_strided_slice %get3A_1 {offsets = [0, 33280], sizes = [32, 128], strides = [1, 1]} : vector<32x65536xf32> to vector<32x128xf32>
    %slice3A_584 = vector.extract_strided_slice %get3A_1 {offsets = [0, 33408], sizes = [32, 128], strides = [1, 1]} : vector<32x65536xf32> to vector<32x128xf32>
    %slice3A_585 = vector.extract_strided_slice %get3A_1 {offsets = [0, 33536], sizes = [32, 128], strides = [1, 1]} : vector<32x65536xf32> to vector<32x128xf32>
    %slice3A_586 = vector.extract_strided_slice %get3A_1 {offsets = [0, 33664], sizes = [32, 128], strides = [1, 1]} : vector<32x65536xf32> to vector<32x128xf32>
    %concatenate3A_587 = tpu.concatenate %slice3A_583, %slice3A_584, %slice3A_585, %slice3A_586 in 0 : vector<32x128xf32>, vector<32x128xf32>, vector<32x128xf32>, vector<32x128xf32> -> vector<128x128xf32>
    %transpose3A_588 = tpu.transpose %concatenate3A_587, [1, 0] : vector<128x128xf32> -> vector<128x128xf32>
    %swap3A_589 = arith.constant 8320 : index
    %swap3A_590 = arith.constant 0 : index
    %swap3A_591 = vector.load %arg2[%swap3A_589, %swap3A_590] : memref<16384x128xf32, #tpu.memory_space<vmem>>, vector<128x128xf32>
    tpu.vector_store %arg2[%swap3A_589, %swap3A_590], %transpose3A_588 {strides = array<i32>} : memref<16384x128xf32, #tpu.memory_space<vmem>>, vector<128x128xf32>,
    %slice3A_592 = vector.extract_strided_slice %get3A_1 {offsets = [0, 33792], sizes = [32, 128], strides = [1, 1]} : vector<32x65536xf32> to vector<32x128xf32>
    %slice3A_593 = vector.extract_strided_slice %get3A_1 {offsets = [0, 33920], sizes = [32, 128], strides = [1, 1]} : vector<32x65536xf32> to vector<32x128xf32>
    %slice3A_594 = vector.extract_strided_slice %get3A_1 {offsets = [0, 34048], sizes = [32, 128], strides = [1, 1]} : vector<32x65536xf32> to vector<32x128xf32>
    %slice3A_595 = vector.extract_strided_slice %get3A_1 {offsets = [0, 34176], sizes = [32, 128], strides = [1, 1]} : vector<32x65536xf32> to vector<32x128xf32>
    %concatenate3A_596 = tpu.concatenate %slice3A_592, %slice3A_593, %slice3A_594, %slice3A_595 in 0 : vector<32x128xf32>, vector<32x128xf32>, vector<32x128xf32>, vector<32x128xf32> -> vector<128x128xf32>
    %transpose3A_597 = tpu.transpose %concatenate3A_596, [1, 0] : vector<128x128xf32> -> vector<128x128xf32>
    %swap3A_598 = arith.constant 8448 : index
    %swap3A_599 = arith.constant 0 : index
    %swap3A_600 = vector.load %arg2[%swap3A_598, %swap3A_599] : memref<16384x128xf32, #tpu.memory_space<vmem>>, vector<128x128xf32>
    tpu.vector_store %arg2[%swap3A_598, %swap3A_599], %transpose3A_597 {strides = array<i32>} : memref<16384x128xf32, #tpu.memory_space<vmem>>, vector<128x128xf32>,
    %slice3A_601 = vector.extract_strided_slice %get3A_1 {offsets = [0, 34304], sizes = [32, 128], strides = [1, 1]} : vector<32x65536xf32> to vector<32x128xf32>
    %slice3A_602 = vector.extract_strided_slice %get3A_1 {offsets = [0, 34432], sizes = [32, 128], strides = [1, 1]} : vector<32x65536xf32> to vector<32x128xf32>
    %slice3A_603 = vector.extract_strided_slice %get3A_1 {offsets = [0, 34560], sizes = [32, 128], strides = [1, 1]} : vector<32x65536xf32> to vector<32x128xf32>
    %slice3A_604 = vector.extract_strided_slice %get3A_1 {offsets = [0, 34688], sizes = [32, 128], strides = [1, 1]} : vector<32x65536xf32> to vector<32x128xf32>
    %concatenate3A_605 = tpu.concatenate %slice3A_601, %slice3A_602, %slice3A_603, %slice3A_604 in 0 : vector<32x128xf32>, vector<32x128xf32>, vector<32x128xf32>, vector<32x128xf32> -> vector<128x128xf32>
    %transpose3A_606 = tpu.transpose %concatenate3A_605, [1, 0] : vector<128x128xf32> -> vector<128x128xf32>
    %swap3A_607 = arith.constant 8576 : index
    %swap3A_608 = arith.constant 0 : index
    %swap3A_609 = vector.load %arg2[%swap3A_607, %swap3A_608] : memref<16384x128xf32, #tpu.memory_space<vmem>>, vector<128x128xf32>
    tpu.vector_store %arg2[%swap3A_607, %swap3A_608], %transpose3A_606 {strides = array<i32>} : memref<16384x128xf32, #tpu.memory_space<vmem>>, vector<128x128xf32>,
    %slice3A_610 = vector.extract_strided_slice %get3A_1 {offsets = [0, 34816], sizes = [32, 128], strides = [1, 1]} : vector<32x65536xf32> to vector<32x128xf32>
    %slice3A_611 = vector.extract_strided_slice %get3A_1 {offsets = [0, 34944], sizes = [32, 128], strides = [1, 1]} : vector<32x65536xf32> to vector<32x128xf32>
    %slice3A_612 = vector.extract_strided_slice %get3A_1 {offsets = [0, 35072], sizes = [32, 128], strides = [1, 1]} : vector<32x65536xf32> to vector<32x128xf32>
    %slice3A_613 = vector.extract_strided_slice %get3A_1 {offsets = [0, 35200], sizes = [32, 128], strides = [1, 1]} : vector<32x65536xf32> to vector<32x128xf32>
    %concatenate3A_614 = tpu.concatenate %slice3A_610, %slice3A_611, %slice3A_612, %slice3A_613 in 0 : vector<32x128xf32>, vector<32x128xf32>, vector<32x128xf32>, vector<32x128xf32> -> vector<128x128xf32>
    %transpose3A_615 = tpu.transpose %concatenate3A_614, [1, 0] : vector<128x128xf32> -> vector<128x128xf32>
    %swap3A_616 = arith.constant 8704 : index
    %swap3A_617 = arith.constant 0 : index
    %swap3A_618 = vector.load %arg2[%swap3A_616, %swap3A_617] : memref<16384x128xf32, #tpu.memory_space<vmem>>, vector<128x128xf32>
    tpu.vector_store %arg2[%swap3A_616, %swap3A_617], %transpose3A_615 {strides = array<i32>} : memref<16384x128xf32, #tpu.memory_space<vmem>>, vector<128x128xf32>,
    %slice3A_619 = vector.extract_strided_slice %get3A_1 {offsets = [0, 35328], sizes = [32, 128], strides = [1, 1]} : vector<32x65536xf32> to vector<32x128xf32>
    %slice3A_620 = vector.extract_strided_slice %get3A_1 {offsets = [0, 35456], sizes = [32, 128], strides = [1, 1]} : vector<32x65536xf32> to vector<32x128xf32>
    %slice3A_621 = vector.extract_strided_slice %get3A_1 {offsets = [0, 35584], sizes = [32, 128], strides = [1, 1]} : vector<32x65536xf32> to vector<32x128xf32>
    %slice3A_622 = vector.extract_strided_slice %get3A_1 {offsets = [0, 35712], sizes = [32, 128], strides = [1, 1]} : vector<32x65536xf32> to vector<32x128xf32>
    %concatenate3A_623 = tpu.concatenate %slice3A_619, %slice3A_620, %slice3A_621, %slice3A_622 in 0 : vector<32x128xf32>, vector<32x128xf32>, vector<32x128xf32>, vector<32x128xf32> -> vector<128x128xf32>
    %transpose3A_624 = tpu.transpose %concatenate3A_623, [1, 0] : vector<128x128xf32> -> vector<128x128xf32>
    %swap3A_625 = arith.constant 8832 : index
    %swap3A_626 = arith.constant 0 : index
    %swap3A_627 = vector.load %arg2[%swap3A_625, %swap3A_626] : memref<16384x128xf32, #tpu.memory_space<vmem>>, vector<128x128xf32>
    tpu.vector_store %arg2[%swap3A_625, %swap3A_626], %transpose3A_624 {strides = array<i32>} : memref<16384x128xf32, #tpu.memory_space<vmem>>, vector<128x128xf32>,
    %slice3A_628 = vector.extract_strided_slice %get3A_1 {offsets = [0, 35840], sizes = [32, 128], strides = [1, 1]} : vector<32x65536xf32> to vector<32x128xf32>
    %slice3A_629 = vector.extract_strided_slice %get3A_1 {offsets = [0, 35968], sizes = [32, 128], strides = [1, 1]} : vector<32x65536xf32> to vector<32x128xf32>
    %slice3A_630 = vector.extract_strided_slice %get3A_1 {offsets = [0, 36096], sizes = [32, 128], strides = [1, 1]} : vector<32x65536xf32> to vector<32x128xf32>
    %slice3A_631 = vector.extract_strided_slice %get3A_1 {offsets = [0, 36224], sizes = [32, 128], strides = [1, 1]} : vector<32x65536xf32> to vector<32x128xf32>
    %concatenate3A_632 = tpu.concatenate %slice3A_628, %slice3A_629, %slice3A_630, %slice3A_631 in 0 : vector<32x128xf32>, vector<32x128xf32>, vector<32x128xf32>, vector<32x128xf32> -> vector<128x128xf32>
    %transpose3A_633 = tpu.transpose %concatenate3A_632, [1, 0] : vector<128x128xf32> -> vector<128x128xf32>
    %swap3A_634 = arith.constant 8960 : index
    %swap3A_635 = arith.constant 0 : index
    %swap3A_636 = vector.load %arg2[%swap3A_634, %swap3A_635] : memref<16384x128xf32, #tpu.memory_space<vmem>>, vector<128x128xf32>
    tpu.vector_store %arg2[%swap3A_634, %swap3A_635], %transpose3A_633 {strides = array<i32>} : memref<16384x128xf32, #tpu.memory_space<vmem>>, vector<128x128xf32>,
    %slice3A_637 = vector.extract_strided_slice %get3A_1 {offsets = [0, 36352], sizes = [32, 128], strides = [1, 1]} : vector<32x65536xf32> to vector<32x128xf32>
    %slice3A_638 = vector.extract_strided_slice %get3A_1 {offsets = [0, 36480], sizes = [32, 128], strides = [1, 1]} : vector<32x65536xf32> to vector<32x128xf32>
    %slice3A_639 = vector.extract_strided_slice %get3A_1 {offsets = [0, 36608], sizes = [32, 128], strides = [1, 1]} : vector<32x65536xf32> to vector<32x128xf32>
    %slice3A_640 = vector.extract_strided_slice %get3A_1 {offsets = [0, 36736], sizes = [32, 128], strides = [1, 1]} : vector<32x65536xf32> to vector<32x128xf32>
    %concatenate3A_641 = tpu.concatenate %slice3A_637, %slice3A_638, %slice3A_639, %slice3A_640 in 0 : vector<32x128xf32>, vector<32x128xf32>, vector<32x128xf32>, vector<32x128xf32> -> vector<128x128xf32>
    %transpose3A_642 = tpu.transpose %concatenate3A_641, [1, 0] : vector<128x128xf32> -> vector<128x128xf32>
    %swap3A_643 = arith.constant 9088 : index
    %swap3A_644 = arith.constant 0 : index
    %swap3A_645 = vector.load %arg2[%swap3A_643, %swap3A_644] : memref<16384x128xf32, #tpu.memory_space<vmem>>, vector<128x128xf32>
    tpu.vector_store %arg2[%swap3A_643, %swap3A_644], %transpose3A_642 {strides = array<i32>} : memref<16384x128xf32, #tpu.memory_space<vmem>>, vector<128x128xf32>,
    %slice3A_646 = vector.extract_strided_slice %get3A_1 {offsets = [0, 36864], sizes = [32, 128], strides = [1, 1]} : vector<32x65536xf32> to vector<32x128xf32>
    %slice3A_647 = vector.extract_strided_slice %get3A_1 {offsets = [0, 36992], sizes = [32, 128], strides = [1, 1]} : vector<32x65536xf32> to vector<32x128xf32>
    %slice3A_648 = vector.extract_strided_slice %get3A_1 {offsets = [0, 37120], sizes = [32, 128], strides = [1, 1]} : vector<32x65536xf32> to vector<32x128xf32>
    %slice3A_649 = vector.extract_strided_slice %get3A_1 {offsets = [0, 37248], sizes = [32, 128], strides = [1, 1]} : vector<32x65536xf32> to vector<32x128xf32>
    %concatenate3A_650 = tpu.concatenate %slice3A_646, %slice3A_647, %slice3A_648, %slice3A_649 in 0 : vector<32x128xf32>, vector<32x128xf32>, vector<32x128xf32>, vector<32x128xf32> -> vector<128x128xf32>
    %transpose3A_651 = tpu.transpose %concatenate3A_650, [1, 0] : vector<128x128xf32> -> vector<128x128xf32>
    %swap3A_652 = arith.constant 9216 : index
    %swap3A_653 = arith.constant 0 : index
    %swap3A_654 = vector.load %arg2[%swap3A_652, %swap3A_653] : memref<16384x128xf32, #tpu.memory_space<vmem>>, vector<128x128xf32>
    tpu.vector_store %arg2[%swap3A_652, %swap3A_653], %transpose3A_651 {strides = array<i32>} : memref<16384x128xf32, #tpu.memory_space<vmem>>, vector<128x128xf32>,
    %slice3A_655 = vector.extract_strided_slice %get3A_1 {offsets = [0, 37376], sizes = [32, 128], strides = [1, 1]} : vector<32x65536xf32> to vector<32x128xf32>
    %slice3A_656 = vector.extract_strided_slice %get3A_1 {offsets = [0, 37504], sizes = [32, 128], strides = [1, 1]} : vector<32x65536xf32> to vector<32x128xf32>
    %slice3A_657 = vector.extract_strided_slice %get3A_1 {offsets = [0, 37632], sizes = [32, 128], strides = [1, 1]} : vector<32x65536xf32> to vector<32x128xf32>
    %slice3A_658 = vector.extract_strided_slice %get3A_1 {offsets = [0, 37760], sizes = [32, 128], strides = [1, 1]} : vector<32x65536xf32> to vector<32x128xf32>
    %concatenate3A_659 = tpu.concatenate %slice3A_655, %slice3A_656, %slice3A_657, %slice3A_658 in 0 : vector<32x128xf32>, vector<32x128xf32>, vector<32x128xf32>, vector<32x128xf32> -> vector<128x128xf32>
    %transpose3A_660 = tpu.transpose %concatenate3A_659, [1, 0] : vector<128x128xf32> -> vector<128x128xf32>
    %swap3A_661 = arith.constant 9344 : index
    %swap3A_662 = arith.constant 0 : index
    %swap3A_663 = vector.load %arg2[%swap3A_661, %swap3A_662] : memref<16384x128xf32, #tpu.memory_space<vmem>>, vector<128x128xf32>
    tpu.vector_store %arg2[%swap3A_661, %swap3A_662], %transpose3A_660 {strides = array<i32>} : memref<16384x128xf32, #tpu.memory_space<vmem>>, vector<128x128xf32>,
    %slice3A_664 = vector.extract_strided_slice %get3A_1 {offsets = [0, 37888], sizes = [32, 128], strides = [1, 1]} : vector<32x65536xf32> to vector<32x128xf32>
    %slice3A_665 = vector.extract_strided_slice %get3A_1 {offsets = [0, 38016], sizes = [32, 128], strides = [1, 1]} : vector<32x65536xf32> to vector<32x128xf32>
    %slice3A_666 = vector.extract_strided_slice %get3A_1 {offsets = [0, 38144], sizes = [32, 128], strides = [1, 1]} : vector<32x65536xf32> to vector<32x128xf32>
    %slice3A_667 = vector.extract_strided_slice %get3A_1 {offsets = [0, 38272], sizes = [32, 128], strides = [1, 1]} : vector<32x65536xf32> to vector<32x128xf32>
    %concatenate3A_668 = tpu.concatenate %slice3A_664, %slice3A_665, %slice3A_666, %slice3A_667 in 0 : vector<32x128xf32>, vector<32x128xf32>, vector<32x128xf32>, vector<32x128xf32> -> vector<128x128xf32>
    %transpose3A_669 = tpu.transpose %concatenate3A_668, [1, 0] : vector<128x128xf32> -> vector<128x128xf32>
    %swap3A_670 = arith.constant 9472 : index
    %swap3A_671 = arith.constant 0 : index
    %swap3A_672 = vector.load %arg2[%swap3A_670, %swap3A_671] : memref<16384x128xf32, #tpu.memory_space<vmem>>, vector<128x128xf32>
    tpu.vector_store %arg2[%swap3A_670, %swap3A_671], %transpose3A_669 {strides = array<i32>} : memref<16384x128xf32, #tpu.memory_space<vmem>>, vector<128x128xf32>,
    %slice3A_673 = vector.extract_strided_slice %get3A_1 {offsets = [0, 38400], sizes = [32, 128], strides = [1, 1]} : vector<32x65536xf32> to vector<32x128xf32>
    %slice3A_674 = vector.extract_strided_slice %get3A_1 {offsets = [0, 38528], sizes = [32, 128], strides = [1, 1]} : vector<32x65536xf32> to vector<32x128xf32>
    %slice3A_675 = vector.extract_strided_slice %get3A_1 {offsets = [0, 38656], sizes = [32, 128], strides = [1, 1]} : vector<32x65536xf32> to vector<32x128xf32>
    %slice3A_676 = vector.extract_strided_slice %get3A_1 {offsets = [0, 38784], sizes = [32, 128], strides = [1, 1]} : vector<32x65536xf32> to vector<32x128xf32>
    %concatenate3A_677 = tpu.concatenate %slice3A_673, %slice3A_674, %slice3A_675, %slice3A_676 in 0 : vector<32x128xf32>, vector<32x128xf32>, vector<32x128xf32>, vector<32x128xf32> -> vector<128x128xf32>
    %transpose3A_678 = tpu.transpose %concatenate3A_677, [1, 0] : vector<128x128xf32> -> vector<128x128xf32>
    %swap3A_679 = arith.constant 9600 : index
    %swap3A_680 = arith.constant 0 : index
    %swap3A_681 = vector.load %arg2[%swap3A_679, %swap3A_680] : memref<16384x128xf32, #tpu.memory_space<vmem>>, vector<128x128xf32>
    tpu.vector_store %arg2[%swap3A_679, %swap3A_680], %transpose3A_678 {strides = array<i32>} : memref<16384x128xf32, #tpu.memory_space<vmem>>, vector<128x128xf32>,
    %slice3A_682 = vector.extract_strided_slice %get3A_1 {offsets = [0, 38912], sizes = [32, 128], strides = [1, 1]} : vector<32x65536xf32> to vector<32x128xf32>
    %slice3A_683 = vector.extract_strided_slice %get3A_1 {offsets = [0, 39040], sizes = [32, 128], strides = [1, 1]} : vector<32x65536xf32> to vector<32x128xf32>
    %slice3A_684 = vector.extract_strided_slice %get3A_1 {offsets = [0, 39168], sizes = [32, 128], strides = [1, 1]} : vector<32x65536xf32> to vector<32x128xf32>
    %slice3A_685 = vector.extract_strided_slice %get3A_1 {offsets = [0, 39296], sizes = [32, 128], strides = [1, 1]} : vector<32x65536xf32> to vector<32x128xf32>
    %concatenate3A_686 = tpu.concatenate %slice3A_682, %slice3A_683, %slice3A_684, %slice3A_685 in 0 : vector<32x128xf32>, vector<32x128xf32>, vector<32x128xf32>, vector<32x128xf32> -> vector<128x128xf32>
    %transpose3A_687 = tpu.transpose %concatenate3A_686, [1, 0] : vector<128x128xf32> -> vector<128x128xf32>
    %swap3A_688 = arith.constant 9728 : index
    %swap3A_689 = arith.constant 0 : index
    %swap3A_690 = vector.load %arg2[%swap3A_688, %swap3A_689] : memref<16384x128xf32, #tpu.memory_space<vmem>>, vector<128x128xf32>
    tpu.vector_store %arg2[%swap3A_688, %swap3A_689], %transpose3A_687 {strides = array<i32>} : memref<16384x128xf32, #tpu.memory_space<vmem>>, vector<128x128xf32>,
    %slice3A_691 = vector.extract_strided_slice %get3A_1 {offsets = [0, 39424], sizes = [32, 128], strides = [1, 1]} : vector<32x65536xf32> to vector<32x128xf32>
    %slice3A_692 = vector.extract_strided_slice %get3A_1 {offsets = [0, 39552], sizes = [32, 128], strides = [1, 1]} : vector<32x65536xf32> to vector<32x128xf32>
    %slice3A_693 = vector.extract_strided_slice %get3A_1 {offsets = [0, 39680], sizes = [32, 128], strides = [1, 1]} : vector<32x65536xf32> to vector<32x128xf32>
    %slice3A_694 = vector.extract_strided_slice %get3A_1 {offsets = [0, 39808], sizes = [32, 128], strides = [1, 1]} : vector<32x65536xf32> to vector<32x128xf32>
    %concatenate3A_695 = tpu.concatenate %slice3A_691, %slice3A_692, %slice3A_693, %slice3A_694 in 0 : vector<32x128xf32>, vector<32x128xf32>, vector<32x128xf32>, vector<32x128xf32> -> vector<128x128xf32>
    %transpose3A_696 = tpu.transpose %concatenate3A_695, [1, 0] : vector<128x128xf32> -> vector<128x128xf32>
    %swap3A_697 = arith.constant 9856 : index
    %swap3A_698 = arith.constant 0 : index
    %swap3A_699 = vector.load %arg2[%swap3A_697, %swap3A_698] : memref<16384x128xf32, #tpu.memory_space<vmem>>, vector<128x128xf32>
    tpu.vector_store %arg2[%swap3A_697, %swap3A_698], %transpose3A_696 {strides = array<i32>} : memref<16384x128xf32, #tpu.memory_space<vmem>>, vector<128x128xf32>,
    %slice3A_700 = vector.extract_strided_slice %get3A_1 {offsets = [0, 39936], sizes = [32, 128], strides = [1, 1]} : vector<32x65536xf32> to vector<32x128xf32>
    %slice3A_701 = vector.extract_strided_slice %get3A_1 {offsets = [0, 40064], sizes = [32, 128], strides = [1, 1]} : vector<32x65536xf32> to vector<32x128xf32>
    %slice3A_702 = vector.extract_strided_slice %get3A_1 {offsets = [0, 40192], sizes = [32, 128], strides = [1, 1]} : vector<32x65536xf32> to vector<32x128xf32>
    %slice3A_703 = vector.extract_strided_slice %get3A_1 {offsets = [0, 40320], sizes = [32, 128], strides = [1, 1]} : vector<32x65536xf32> to vector<32x128xf32>
    %concatenate3A_704 = tpu.concatenate %slice3A_700, %slice3A_701, %slice3A_702, %slice3A_703 in 0 : vector<32x128xf32>, vector<32x128xf32>, vector<32x128xf32>, vector<32x128xf32> -> vector<128x128xf32>
    %transpose3A_705 = tpu.transpose %concatenate3A_704, [1, 0] : vector<128x128xf32> -> vector<128x128xf32>
    %swap3A_706 = arith.constant 9984 : index
    %swap3A_707 = arith.constant 0 : index
    %swap3A_708 = vector.load %arg2[%swap3A_706, %swap3A_707] : memref<16384x128xf32, #tpu.memory_space<vmem>>, vector<128x128xf32>
    tpu.vector_store %arg2[%swap3A_706, %swap3A_707], %transpose3A_705 {strides = array<i32>} : memref<16384x128xf32, #tpu.memory_space<vmem>>, vector<128x128xf32>,
    %slice3A_709 = vector.extract_strided_slice %get3A_1 {offsets = [0, 40448], sizes = [32, 128], strides = [1, 1]} : vector<32x65536xf32> to vector<32x128xf32>
    %slice3A_710 = vector.extract_strided_slice %get3A_1 {offsets = [0, 40576], sizes = [32, 128], strides = [1, 1]} : vector<32x65536xf32> to vector<32x128xf32>
    %slice3A_711 = vector.extract_strided_slice %get3A_1 {offsets = [0, 40704], sizes = [32, 128], strides = [1, 1]} : vector<32x65536xf32> to vector<32x128xf32>
    %slice3A_712 = vector.extract_strided_slice %get3A_1 {offsets = [0, 40832], sizes = [32, 128], strides = [1, 1]} : vector<32x65536xf32> to vector<32x128xf32>
    %concatenate3A_713 = tpu.concatenate %slice3A_709, %slice3A_710, %slice3A_711, %slice3A_712 in 0 : vector<32x128xf32>, vector<32x128xf32>, vector<32x128xf32>, vector<32x128xf32> -> vector<128x128xf32>
    %transpose3A_714 = tpu.transpose %concatenate3A_713, [1, 0] : vector<128x128xf32> -> vector<128x128xf32>
    %swap3A_715 = arith.constant 10112 : index
    %swap3A_716 = arith.constant 0 : index
    %swap3A_717 = vector.load %arg2[%swap3A_715, %swap3A_716] : memref<16384x128xf32, #tpu.memory_space<vmem>>, vector<128x128xf32>
    tpu.vector_store %arg2[%swap3A_715, %swap3A_716], %transpose3A_714 {strides = array<i32>} : memref<16384x128xf32, #tpu.memory_space<vmem>>, vector<128x128xf32>,
    %slice3A_718 = vector.extract_strided_slice %get3A_1 {offsets = [0, 40960], sizes = [32, 128], strides = [1, 1]} : vector<32x65536xf32> to vector<32x128xf32>
    %slice3A_719 = vector.extract_strided_slice %get3A_1 {offsets = [0, 41088], sizes = [32, 128], strides = [1, 1]} : vector<32x65536xf32> to vector<32x128xf32>
    %slice3A_720 = vector.extract_strided_slice %get3A_1 {offsets = [0, 41216], sizes = [32, 128], strides = [1, 1]} : vector<32x65536xf32> to vector<32x128xf32>
    %slice3A_721 = vector.extract_strided_slice %get3A_1 {offsets = [0, 41344], sizes = [32, 128], strides = [1, 1]} : vector<32x65536xf32> to vector<32x128xf32>
    %concatenate3A_722 = tpu.concatenate %slice3A_718, %slice3A_719, %slice3A_720, %slice3A_721 in 0 : vector<32x128xf32>, vector<32x128xf32>, vector<32x128xf32>, vector<32x128xf32> -> vector<128x128xf32>
    %transpose3A_723 = tpu.transpose %concatenate3A_722, [1, 0] : vector<128x128xf32> -> vector<128x128xf32>
    %swap3A_724 = arith.constant 10240 : index
    %swap3A_725 = arith.constant 0 : index
    %swap3A_726 = vector.load %arg2[%swap3A_724, %swap3A_725] : memref<16384x128xf32, #tpu.memory_space<vmem>>, vector<128x128xf32>
    tpu.vector_store %arg2[%swap3A_724, %swap3A_725], %transpose3A_723 {strides = array<i32>} : memref<16384x128xf32, #tpu.memory_space<vmem>>, vector<128x128xf32>,
    %slice3A_727 = vector.extract_strided_slice %get3A_1 {offsets = [0, 41472], sizes = [32, 128], strides = [1, 1]} : vector<32x65536xf32> to vector<32x128xf32>
    %slice3A_728 = vector.extract_strided_slice %get3A_1 {offsets = [0, 41600], sizes = [32, 128], strides = [1, 1]} : vector<32x65536xf32> to vector<32x128xf32>
    %slice3A_729 = vector.extract_strided_slice %get3A_1 {offsets = [0, 41728], sizes = [32, 128], strides = [1, 1]} : vector<32x65536xf32> to vector<32x128xf32>
    %slice3A_730 = vector.extract_strided_slice %get3A_1 {offsets = [0, 41856], sizes = [32, 128], strides = [1, 1]} : vector<32x65536xf32> to vector<32x128xf32>
    %concatenate3A_731 = tpu.concatenate %slice3A_727, %slice3A_728, %slice3A_729, %slice3A_730 in 0 : vector<32x128xf32>, vector<32x128xf32>, vector<32x128xf32>, vector<32x128xf32> -> vector<128x128xf32>
    %transpose3A_732 = tpu.transpose %concatenate3A_731, [1, 0] : vector<128x128xf32> -> vector<128x128xf32>
    %swap3A_733 = arith.constant 10368 : index
    %swap3A_734 = arith.constant 0 : index
    %swap3A_735 = vector.load %arg2[%swap3A_733, %swap3A_734] : memref<16384x128xf32, #tpu.memory_space<vmem>>, vector<128x128xf32>
    tpu.vector_store %arg2[%swap3A_733, %swap3A_734], %transpose3A_732 {strides = array<i32>} : memref<16384x128xf32, #tpu.memory_space<vmem>>, vector<128x128xf32>,
    %slice3A_736 = vector.extract_strided_slice %get3A_1 {offsets = [0, 41984], sizes = [32, 128], strides = [1, 1]} : vector<32x65536xf32> to vector<32x128xf32>
    %slice3A_737 = vector.extract_strided_slice %get3A_1 {offsets = [0, 42112], sizes = [32, 128], strides = [1, 1]} : vector<32x65536xf32> to vector<32x128xf32>
    %slice3A_738 = vector.extract_strided_slice %get3A_1 {offsets = [0, 42240], sizes = [32, 128], strides = [1, 1]} : vector<32x65536xf32> to vector<32x128xf32>
    %slice3A_739 = vector.extract_strided_slice %get3A_1 {offsets = [0, 42368], sizes = [32, 128], strides = [1, 1]} : vector<32x65536xf32> to vector<32x128xf32>
    %concatenate3A_740 = tpu.concatenate %slice3A_736, %slice3A_737, %slice3A_738, %slice3A_739 in 0 : vector<32x128xf32>, vector<32x128xf32>, vector<32x128xf32>, vector<32x128xf32> -> vector<128x128xf32>
    %transpose3A_741 = tpu.transpose %concatenate3A_740, [1, 0] : vector<128x128xf32> -> vector<128x128xf32>
    %swap3A_742 = arith.constant 10496 : index
    %swap3A_743 = arith.constant 0 : index
    %swap3A_744 = vector.load %arg2[%swap3A_742, %swap3A_743] : memref<16384x128xf32, #tpu.memory_space<vmem>>, vector<128x128xf32>
    tpu.vector_store %arg2[%swap3A_742, %swap3A_743], %transpose3A_741 {strides = array<i32>} : memref<16384x128xf32, #tpu.memory_space<vmem>>, vector<128x128xf32>,
    %slice3A_745 = vector.extract_strided_slice %get3A_1 {offsets = [0, 42496], sizes = [32, 128], strides = [1, 1]} : vector<32x65536xf32> to vector<32x128xf32>
    %slice3A_746 = vector.extract_strided_slice %get3A_1 {offsets = [0, 42624], sizes = [32, 128], strides = [1, 1]} : vector<32x65536xf32> to vector<32x128xf32>
    %slice3A_747 = vector.extract_strided_slice %get3A_1 {offsets = [0, 42752], sizes = [32, 128], strides = [1, 1]} : vector<32x65536xf32> to vector<32x128xf32>
    %slice3A_748 = vector.extract_strided_slice %get3A_1 {offsets = [0, 42880], sizes = [32, 128], strides = [1, 1]} : vector<32x65536xf32> to vector<32x128xf32>
    %concatenate3A_749 = tpu.concatenate %slice3A_745, %slice3A_746, %slice3A_747, %slice3A_748 in 0 : vector<32x128xf32>, vector<32x128xf32>, vector<32x128xf32>, vector<32x128xf32> -> vector<128x128xf32>
    %transpose3A_750 = tpu.transpose %concatenate3A_749, [1, 0] : vector<128x128xf32> -> vector<128x128xf32>
    %swap3A_751 = arith.constant 10624 : index
    %swap3A_752 = arith.constant 0 : index
    %swap3A_753 = vector.load %arg2[%swap3A_751, %swap3A_752] : memref<16384x128xf32, #tpu.memory_space<vmem>>, vector<128x128xf32>
    tpu.vector_store %arg2[%swap3A_751, %swap3A_752], %transpose3A_750 {strides = array<i32>} : memref<16384x128xf32, #tpu.memory_space<vmem>>, vector<128x128xf32>,
    %slice3A_754 = vector.extract_strided_slice %get3A_1 {offsets = [0, 43008], sizes = [32, 128], strides = [1, 1]} : vector<32x65536xf32> to vector<32x128xf32>
    %slice3A_755 = vector.extract_strided_slice %get3A_1 {offsets = [0, 43136], sizes = [32, 128], strides = [1, 1]} : vector<32x65536xf32> to vector<32x128xf32>
    %slice3A_756 = vector.extract_strided_slice %get3A_1 {offsets = [0, 43264], sizes = [32, 128], strides = [1, 1]} : vector<32x65536xf32> to vector<32x128xf32>
    %slice3A_757 = vector.extract_strided_slice %get3A_1 {offsets = [0, 43392], sizes = [32, 128], strides = [1, 1]} : vector<32x65536xf32> to vector<32x128xf32>
    %concatenate3A_758 = tpu.concatenate %slice3A_754, %slice3A_755, %slice3A_756, %slice3A_757 in 0 : vector<32x128xf32>, vector<32x128xf32>, vector<32x128xf32>, vector<32x128xf32> -> vector<128x128xf32>
    %transpose3A_759 = tpu.transpose %concatenate3A_758, [1, 0] : vector<128x128xf32> -> vector<128x128xf32>
    %swap3A_760 = arith.constant 10752 : index
    %swap3A_761 = arith.constant 0 : index
    %swap3A_762 = vector.load %arg2[%swap3A_760, %swap3A_761] : memref<16384x128xf32, #tpu.memory_space<vmem>>, vector<128x128xf32>
    tpu.vector_store %arg2[%swap3A_760, %swap3A_761], %transpose3A_759 {strides = array<i32>} : memref<16384x128xf32, #tpu.memory_space<vmem>>, vector<128x128xf32>,
    %slice3A_763 = vector.extract_strided_slice %get3A_1 {offsets = [0, 43520], sizes = [32, 128], strides = [1, 1]} : vector<32x65536xf32> to vector<32x128xf32>
    %slice3A_764 = vector.extract_strided_slice %get3A_1 {offsets = [0, 43648], sizes = [32, 128], strides = [1, 1]} : vector<32x65536xf32> to vector<32x128xf32>
    %slice3A_765 = vector.extract_strided_slice %get3A_1 {offsets = [0, 43776], sizes = [32, 128], strides = [1, 1]} : vector<32x65536xf32> to vector<32x128xf32>
    %slice3A_766 = vector.extract_strided_slice %get3A_1 {offsets = [0, 43904], sizes = [32, 128], strides = [1, 1]} : vector<32x65536xf32> to vector<32x128xf32>
    %concatenate3A_767 = tpu.concatenate %slice3A_763, %slice3A_764, %slice3A_765, %slice3A_766 in 0 : vector<32x128xf32>, vector<32x128xf32>, vector<32x128xf32>, vector<32x128xf32> -> vector<128x128xf32>
    %transpose3A_768 = tpu.transpose %concatenate3A_767, [1, 0] : vector<128x128xf32> -> vector<128x128xf32>
    %swap3A_769 = arith.constant 10880 : index
    %swap3A_770 = arith.constant 0 : index
    %swap3A_771 = vector.load %arg2[%swap3A_769, %swap3A_770] : memref<16384x128xf32, #tpu.memory_space<vmem>>, vector<128x128xf32>
    tpu.vector_store %arg2[%swap3A_769, %swap3A_770], %transpose3A_768 {strides = array<i32>} : memref<16384x128xf32, #tpu.memory_space<vmem>>, vector<128x128xf32>,
    %slice3A_772 = vector.extract_strided_slice %get3A_1 {offsets = [0, 44032], sizes = [32, 128], strides = [1, 1]} : vector<32x65536xf32> to vector<32x128xf32>
    %slice3A_773 = vector.extract_strided_slice %get3A_1 {offsets = [0, 44160], sizes = [32, 128], strides = [1, 1]} : vector<32x65536xf32> to vector<32x128xf32>
    %slice3A_774 = vector.extract_strided_slice %get3A_1 {offsets = [0, 44288], sizes = [32, 128], strides = [1, 1]} : vector<32x65536xf32> to vector<32x128xf32>
    %slice3A_775 = vector.extract_strided_slice %get3A_1 {offsets = [0, 44416], sizes = [32, 128], strides = [1, 1]} : vector<32x65536xf32> to vector<32x128xf32>
    %concatenate3A_776 = tpu.concatenate %slice3A_772, %slice3A_773, %slice3A_774, %slice3A_775 in 0 : vector<32x128xf32>, vector<32x128xf32>, vector<32x128xf32>, vector<32x128xf32> -> vector<128x128xf32>
    %transpose3A_777 = tpu.transpose %concatenate3A_776, [1, 0] : vector<128x128xf32> -> vector<128x128xf32>
    %swap3A_778 = arith.constant 11008 : index
    %swap3A_779 = arith.constant 0 : index
    %swap3A_780 = vector.load %arg2[%swap3A_778, %swap3A_779] : memref<16384x128xf32, #tpu.memory_space<vmem>>, vector<128x128xf32>
    tpu.vector_store %arg2[%swap3A_778, %swap3A_779], %transpose3A_777 {strides = array<i32>} : memref<16384x128xf32, #tpu.memory_space<vmem>>, vector<128x128xf32>,
    %slice3A_781 = vector.extract_strided_slice %get3A_1 {offsets = [0, 44544], sizes = [32, 128], strides = [1, 1]} : vector<32x65536xf32> to vector<32x128xf32>
    %slice3A_782 = vector.extract_strided_slice %get3A_1 {offsets = [0, 44672], sizes = [32, 128], strides = [1, 1]} : vector<32x65536xf32> to vector<32x128xf32>
    %slice3A_783 = vector.extract_strided_slice %get3A_1 {offsets = [0, 44800], sizes = [32, 128], strides = [1, 1]} : vector<32x65536xf32> to vector<32x128xf32>
    %slice3A_784 = vector.extract_strided_slice %get3A_1 {offsets = [0, 44928], sizes = [32, 128], strides = [1, 1]} : vector<32x65536xf32> to vector<32x128xf32>
    %concatenate3A_785 = tpu.concatenate %slice3A_781, %slice3A_782, %slice3A_783, %slice3A_784 in 0 : vector<32x128xf32>, vector<32x128xf32>, vector<32x128xf32>, vector<32x128xf32> -> vector<128x128xf32>
    %transpose3A_786 = tpu.transpose %concatenate3A_785, [1, 0] : vector<128x128xf32> -> vector<128x128xf32>
    %swap3A_787 = arith.constant 11136 : index
    %swap3A_788 = arith.constant 0 : index
    %swap3A_789 = vector.load %arg2[%swap3A_787, %swap3A_788] : memref<16384x128xf32, #tpu.memory_space<vmem>>, vector<128x128xf32>
    tpu.vector_store %arg2[%swap3A_787, %swap3A_788], %transpose3A_786 {strides = array<i32>} : memref<16384x128xf32, #tpu.memory_space<vmem>>, vector<128x128xf32>,
    %slice3A_790 = vector.extract_strided_slice %get3A_1 {offsets = [0, 45056], sizes = [32, 128], strides = [1, 1]} : vector<32x65536xf32> to vector<32x128xf32>
    %slice3A_791 = vector.extract_strided_slice %get3A_1 {offsets = [0, 45184], sizes = [32, 128], strides = [1, 1]} : vector<32x65536xf32> to vector<32x128xf32>
    %slice3A_792 = vector.extract_strided_slice %get3A_1 {offsets = [0, 45312], sizes = [32, 128], strides = [1, 1]} : vector<32x65536xf32> to vector<32x128xf32>
    %slice3A_793 = vector.extract_strided_slice %get3A_1 {offsets = [0, 45440], sizes = [32, 128], strides = [1, 1]} : vector<32x65536xf32> to vector<32x128xf32>
    %concatenate3A_794 = tpu.concatenate %slice3A_790, %slice3A_791, %slice3A_792, %slice3A_793 in 0 : vector<32x128xf32>, vector<32x128xf32>, vector<32x128xf32>, vector<32x128xf32> -> vector<128x128xf32>
    %transpose3A_795 = tpu.transpose %concatenate3A_794, [1, 0] : vector<128x128xf32> -> vector<128x128xf32>
    %swap3A_796 = arith.constant 11264 : index
    %swap3A_797 = arith.constant 0 : index
    %swap3A_798 = vector.load %arg2[%swap3A_796, %swap3A_797] : memref<16384x128xf32, #tpu.memory_space<vmem>>, vector<128x128xf32>
    tpu.vector_store %arg2[%swap3A_796, %swap3A_797], %transpose3A_795 {strides = array<i32>} : memref<16384x128xf32, #tpu.memory_space<vmem>>, vector<128x128xf32>,
    %slice3A_799 = vector.extract_strided_slice %get3A_1 {offsets = [0, 45568], sizes = [32, 128], strides = [1, 1]} : vector<32x65536xf32> to vector<32x128xf32>
    %slice3A_800 = vector.extract_strided_slice %get3A_1 {offsets = [0, 45696], sizes = [32, 128], strides = [1, 1]} : vector<32x65536xf32> to vector<32x128xf32>
    %slice3A_801 = vector.extract_strided_slice %get3A_1 {offsets = [0, 45824], sizes = [32, 128], strides = [1, 1]} : vector<32x65536xf32> to vector<32x128xf32>
    %slice3A_802 = vector.extract_strided_slice %get3A_1 {offsets = [0, 45952], sizes = [32, 128], strides = [1, 1]} : vector<32x65536xf32> to vector<32x128xf32>
    %concatenate3A_803 = tpu.concatenate %slice3A_799, %slice3A_800, %slice3A_801, %slice3A_802 in 0 : vector<32x128xf32>, vector<32x128xf32>, vector<32x128xf32>, vector<32x128xf32> -> vector<128x128xf32>
    %transpose3A_804 = tpu.transpose %concatenate3A_803, [1, 0] : vector<128x128xf32> -> vector<128x128xf32>
    %swap3A_805 = arith.constant 11392 : index
    %swap3A_806 = arith.constant 0 : index
    %swap3A_807 = vector.load %arg2[%swap3A_805, %swap3A_806] : memref<16384x128xf32, #tpu.memory_space<vmem>>, vector<128x128xf32>
    tpu.vector_store %arg2[%swap3A_805, %swap3A_806], %transpose3A_804 {strides = array<i32>} : memref<16384x128xf32, #tpu.memory_space<vmem>>, vector<128x128xf32>,
    %slice3A_808 = vector.extract_strided_slice %get3A_1 {offsets = [0, 46080], sizes = [32, 128], strides = [1, 1]} : vector<32x65536xf32> to vector<32x128xf32>
    %slice3A_809 = vector.extract_strided_slice %get3A_1 {offsets = [0, 46208], sizes = [32, 128], strides = [1, 1]} : vector<32x65536xf32> to vector<32x128xf32>
    %slice3A_810 = vector.extract_strided_slice %get3A_1 {offsets = [0, 46336], sizes = [32, 128], strides = [1, 1]} : vector<32x65536xf32> to vector<32x128xf32>
    %slice3A_811 = vector.extract_strided_slice %get3A_1 {offsets = [0, 46464], sizes = [32, 128], strides = [1, 1]} : vector<32x65536xf32> to vector<32x128xf32>
    %concatenate3A_812 = tpu.concatenate %slice3A_808, %slice3A_809, %slice3A_810, %slice3A_811 in 0 : vector<32x128xf32>, vector<32x128xf32>, vector<32x128xf32>, vector<32x128xf32> -> vector<128x128xf32>
    %transpose3A_813 = tpu.transpose %concatenate3A_812, [1, 0] : vector<128x128xf32> -> vector<128x128xf32>
    %swap3A_814 = arith.constant 11520 : index
    %swap3A_815 = arith.constant 0 : index
    %swap3A_816 = vector.load %arg2[%swap3A_814, %swap3A_815] : memref<16384x128xf32, #tpu.memory_space<vmem>>, vector<128x128xf32>
    tpu.vector_store %arg2[%swap3A_814, %swap3A_815], %transpose3A_813 {strides = array<i32>} : memref<16384x128xf32, #tpu.memory_space<vmem>>, vector<128x128xf32>,
    %slice3A_817 = vector.extract_strided_slice %get3A_1 {offsets = [0, 46592], sizes = [32, 128], strides = [1, 1]} : vector<32x65536xf32> to vector<32x128xf32>
    %slice3A_818 = vector.extract_strided_slice %get3A_1 {offsets = [0, 46720], sizes = [32, 128], strides = [1, 1]} : vector<32x65536xf32> to vector<32x128xf32>
    %slice3A_819 = vector.extract_strided_slice %get3A_1 {offsets = [0, 46848], sizes = [32, 128], strides = [1, 1]} : vector<32x65536xf32> to vector<32x128xf32>
    %slice3A_820 = vector.extract_strided_slice %get3A_1 {offsets = [0, 46976], sizes = [32, 128], strides = [1, 1]} : vector<32x65536xf32> to vector<32x128xf32>
    %concatenate3A_821 = tpu.concatenate %slice3A_817, %slice3A_818, %slice3A_819, %slice3A_820 in 0 : vector<32x128xf32>, vector<32x128xf32>, vector<32x128xf32>, vector<32x128xf32> -> vector<128x128xf32>
    %transpose3A_822 = tpu.transpose %concatenate3A_821, [1, 0] : vector<128x128xf32> -> vector<128x128xf32>
    %swap3A_823 = arith.constant 11648 : index
    %swap3A_824 = arith.constant 0 : index
    %swap3A_825 = vector.load %arg2[%swap3A_823, %swap3A_824] : memref<16384x128xf32, #tpu.memory_space<vmem>>, vector<128x128xf32>
    tpu.vector_store %arg2[%swap3A_823, %swap3A_824], %transpose3A_822 {strides = array<i32>} : memref<16384x128xf32, #tpu.memory_space<vmem>>, vector<128x128xf32>,
    %slice3A_826 = vector.extract_strided_slice %get3A_1 {offsets = [0, 47104], sizes = [32, 128], strides = [1, 1]} : vector<32x65536xf32> to vector<32x128xf32>
    %slice3A_827 = vector.extract_strided_slice %get3A_1 {offsets = [0, 47232], sizes = [32, 128], strides = [1, 1]} : vector<32x65536xf32> to vector<32x128xf32>
    %slice3A_828 = vector.extract_strided_slice %get3A_1 {offsets = [0, 47360], sizes = [32, 128], strides = [1, 1]} : vector<32x65536xf32> to vector<32x128xf32>
    %slice3A_829 = vector.extract_strided_slice %get3A_1 {offsets = [0, 47488], sizes = [32, 128], strides = [1, 1]} : vector<32x65536xf32> to vector<32x128xf32>
    %concatenate3A_830 = tpu.concatenate %slice3A_826, %slice3A_827, %slice3A_828, %slice3A_829 in 0 : vector<32x128xf32>, vector<32x128xf32>, vector<32x128xf32>, vector<32x128xf32> -> vector<128x128xf32>
    %transpose3A_831 = tpu.transpose %concatenate3A_830, [1, 0] : vector<128x128xf32> -> vector<128x128xf32>
    %swap3A_832 = arith.constant 11776 : index
    %swap3A_833 = arith.constant 0 : index
    %swap3A_834 = vector.load %arg2[%swap3A_832, %swap3A_833] : memref<16384x128xf32, #tpu.memory_space<vmem>>, vector<128x128xf32>
    tpu.vector_store %arg2[%swap3A_832, %swap3A_833], %transpose3A_831 {strides = array<i32>} : memref<16384x128xf32, #tpu.memory_space<vmem>>, vector<128x128xf32>,
    %slice3A_835 = vector.extract_strided_slice %get3A_1 {offsets = [0, 47616], sizes = [32, 128], strides = [1, 1]} : vector<32x65536xf32> to vector<32x128xf32>
    %slice3A_836 = vector.extract_strided_slice %get3A_1 {offsets = [0, 47744], sizes = [32, 128], strides = [1, 1]} : vector<32x65536xf32> to vector<32x128xf32>
    %slice3A_837 = vector.extract_strided_slice %get3A_1 {offsets = [0, 47872], sizes = [32, 128], strides = [1, 1]} : vector<32x65536xf32> to vector<32x128xf32>
    %slice3A_838 = vector.extract_strided_slice %get3A_1 {offsets = [0, 48000], sizes = [32, 128], strides = [1, 1]} : vector<32x65536xf32> to vector<32x128xf32>
    %concatenate3A_839 = tpu.concatenate %slice3A_835, %slice3A_836, %slice3A_837, %slice3A_838 in 0 : vector<32x128xf32>, vector<32x128xf32>, vector<32x128xf32>, vector<32x128xf32> -> vector<128x128xf32>
    %transpose3A_840 = tpu.transpose %concatenate3A_839, [1, 0] : vector<128x128xf32> -> vector<128x128xf32>
    %swap3A_841 = arith.constant 11904 : index
    %swap3A_842 = arith.constant 0 : index
    %swap3A_843 = vector.load %arg2[%swap3A_841, %swap3A_842] : memref<16384x128xf32, #tpu.memory_space<vmem>>, vector<128x128xf32>
    tpu.vector_store %arg2[%swap3A_841, %swap3A_842], %transpose3A_840 {strides = array<i32>} : memref<16384x128xf32, #tpu.memory_space<vmem>>, vector<128x128xf32>,
    %slice3A_844 = vector.extract_strided_slice %get3A_1 {offsets = [0, 48128], sizes = [32, 128], strides = [1, 1]} : vector<32x65536xf32> to vector<32x128xf32>
    %slice3A_845 = vector.extract_strided_slice %get3A_1 {offsets = [0, 48256], sizes = [32, 128], strides = [1, 1]} : vector<32x65536xf32> to vector<32x128xf32>
    %slice3A_846 = vector.extract_strided_slice %get3A_1 {offsets = [0, 48384], sizes = [32, 128], strides = [1, 1]} : vector<32x65536xf32> to vector<32x128xf32>
    %slice3A_847 = vector.extract_strided_slice %get3A_1 {offsets = [0, 48512], sizes = [32, 128], strides = [1, 1]} : vector<32x65536xf32> to vector<32x128xf32>
    %concatenate3A_848 = tpu.concatenate %slice3A_844, %slice3A_845, %slice3A_846, %slice3A_847 in 0 : vector<32x128xf32>, vector<32x128xf32>, vector<32x128xf32>, vector<32x128xf32> -> vector<128x128xf32>
    %transpose3A_849 = tpu.transpose %concatenate3A_848, [1, 0] : vector<128x128xf32> -> vector<128x128xf32>
    %swap3A_850 = arith.constant 12032 : index
    %swap3A_851 = arith.constant 0 : index
    %swap3A_852 = vector.load %arg2[%swap3A_850, %swap3A_851] : memref<16384x128xf32, #tpu.memory_space<vmem>>, vector<128x128xf32>
    tpu.vector_store %arg2[%swap3A_850, %swap3A_851], %transpose3A_849 {strides = array<i32>} : memref<16384x128xf32, #tpu.memory_space<vmem>>, vector<128x128xf32>,
    %slice3A_853 = vector.extract_strided_slice %get3A_1 {offsets = [0, 48640], sizes = [32, 128], strides = [1, 1]} : vector<32x65536xf32> to vector<32x128xf32>
    %slice3A_854 = vector.extract_strided_slice %get3A_1 {offsets = [0, 48768], sizes = [32, 128], strides = [1, 1]} : vector<32x65536xf32> to vector<32x128xf32>
    %slice3A_855 = vector.extract_strided_slice %get3A_1 {offsets = [0, 48896], sizes = [32, 128], strides = [1, 1]} : vector<32x65536xf32> to vector<32x128xf32>
    %slice3A_856 = vector.extract_strided_slice %get3A_1 {offsets = [0, 49024], sizes = [32, 128], strides = [1, 1]} : vector<32x65536xf32> to vector<32x128xf32>
    %concatenate3A_857 = tpu.concatenate %slice3A_853, %slice3A_854, %slice3A_855, %slice3A_856 in 0 : vector<32x128xf32>, vector<32x128xf32>, vector<32x128xf32>, vector<32x128xf32> -> vector<128x128xf32>
    %transpose3A_858 = tpu.transpose %concatenate3A_857, [1, 0] : vector<128x128xf32> -> vector<128x128xf32>
    %swap3A_859 = arith.constant 12160 : index
    %swap3A_860 = arith.constant 0 : index
    %swap3A_861 = vector.load %arg2[%swap3A_859, %swap3A_860] : memref<16384x128xf32, #tpu.memory_space<vmem>>, vector<128x128xf32>
    tpu.vector_store %arg2[%swap3A_859, %swap3A_860], %transpose3A_858 {strides = array<i32>} : memref<16384x128xf32, #tpu.memory_space<vmem>>, vector<128x128xf32>,
    %slice3A_862 = vector.extract_strided_slice %get3A_1 {offsets = [0, 49152], sizes = [32, 128], strides = [1, 1]} : vector<32x65536xf32> to vector<32x128xf32>
    %slice3A_863 = vector.extract_strided_slice %get3A_1 {offsets = [0, 49280], sizes = [32, 128], strides = [1, 1]} : vector<32x65536xf32> to vector<32x128xf32>
    %slice3A_864 = vector.extract_strided_slice %get3A_1 {offsets = [0, 49408], sizes = [32, 128], strides = [1, 1]} : vector<32x65536xf32> to vector<32x128xf32>
    %slice3A_865 = vector.extract_strided_slice %get3A_1 {offsets = [0, 49536], sizes = [32, 128], strides = [1, 1]} : vector<32x65536xf32> to vector<32x128xf32>
    %concatenate3A_866 = tpu.concatenate %slice3A_862, %slice3A_863, %slice3A_864, %slice3A_865 in 0 : vector<32x128xf32>, vector<32x128xf32>, vector<32x128xf32>, vector<32x128xf32> -> vector<128x128xf32>
    %transpose3A_867 = tpu.transpose %concatenate3A_866, [1, 0] : vector<128x128xf32> -> vector<128x128xf32>
    %swap3A_868 = arith.constant 12288 : index
    %swap3A_869 = arith.constant 0 : index
    %swap3A_870 = vector.load %arg2[%swap3A_868, %swap3A_869] : memref<16384x128xf32, #tpu.memory_space<vmem>>, vector<128x128xf32>
    tpu.vector_store %arg2[%swap3A_868, %swap3A_869], %transpose3A_867 {strides = array<i32>} : memref<16384x128xf32, #tpu.memory_space<vmem>>, vector<128x128xf32>,
    %slice3A_871 = vector.extract_strided_slice %get3A_1 {offsets = [0, 49664], sizes = [32, 128], strides = [1, 1]} : vector<32x65536xf32> to vector<32x128xf32>
    %slice3A_872 = vector.extract_strided_slice %get3A_1 {offsets = [0, 49792], sizes = [32, 128], strides = [1, 1]} : vector<32x65536xf32> to vector<32x128xf32>
    %slice3A_873 = vector.extract_strided_slice %get3A_1 {offsets = [0, 49920], sizes = [32, 128], strides = [1, 1]} : vector<32x65536xf32> to vector<32x128xf32>
    %slice3A_874 = vector.extract_strided_slice %get3A_1 {offsets = [0, 50048], sizes = [32, 128], strides = [1, 1]} : vector<32x65536xf32> to vector<32x128xf32>
    %concatenate3A_875 = tpu.concatenate %slice3A_871, %slice3A_872, %slice3A_873, %slice3A_874 in 0 : vector<32x128xf32>, vector<32x128xf32>, vector<32x128xf32>, vector<32x128xf32> -> vector<128x128xf32>
    %transpose3A_876 = tpu.transpose %concatenate3A_875, [1, 0] : vector<128x128xf32> -> vector<128x128xf32>
    %swap3A_877 = arith.constant 12416 : index
    %swap3A_878 = arith.constant 0 : index
    %swap3A_879 = vector.load %arg2[%swap3A_877, %swap3A_878] : memref<16384x128xf32, #tpu.memory_space<vmem>>, vector<128x128xf32>
    tpu.vector_store %arg2[%swap3A_877, %swap3A_878], %transpose3A_876 {strides = array<i32>} : memref<16384x128xf32, #tpu.memory_space<vmem>>, vector<128x128xf32>,
    %slice3A_880 = vector.extract_strided_slice %get3A_1 {offsets = [0, 50176], sizes = [32, 128], strides = [1, 1]} : vector<32x65536xf32> to vector<32x128xf32>
    %slice3A_881 = vector.extract_strided_slice %get3A_1 {offsets = [0, 50304], sizes = [32, 128], strides = [1, 1]} : vector<32x65536xf32> to vector<32x128xf32>
    %slice3A_882 = vector.extract_strided_slice %get3A_1 {offsets = [0, 50432], sizes = [32, 128], strides = [1, 1]} : vector<32x65536xf32> to vector<32x128xf32>
    %slice3A_883 = vector.extract_strided_slice %get3A_1 {offsets = [0, 50560], sizes = [32, 128], strides = [1, 1]} : vector<32x65536xf32> to vector<32x128xf32>
    %concatenate3A_884 = tpu.concatenate %slice3A_880, %slice3A_881, %slice3A_882, %slice3A_883 in 0 : vector<32x128xf32>, vector<32x128xf32>, vector<32x128xf32>, vector<32x128xf32> -> vector<128x128xf32>
    %transpose3A_885 = tpu.transpose %concatenate3A_884, [1, 0] : vector<128x128xf32> -> vector<128x128xf32>
    %swap3A_886 = arith.constant 12544 : index
    %swap3A_887 = arith.constant 0 : index
    %swap3A_888 = vector.load %arg2[%swap3A_886, %swap3A_887] : memref<16384x128xf32, #tpu.memory_space<vmem>>, vector<128x128xf32>
    tpu.vector_store %arg2[%swap3A_886, %swap3A_887], %transpose3A_885 {strides = array<i32>} : memref<16384x128xf32, #tpu.memory_space<vmem>>, vector<128x128xf32>,
    %slice3A_889 = vector.extract_strided_slice %get3A_1 {offsets = [0, 50688], sizes = [32, 128], strides = [1, 1]} : vector<32x65536xf32> to vector<32x128xf32>
    %slice3A_890 = vector.extract_strided_slice %get3A_1 {offsets = [0, 50816], sizes = [32, 128], strides = [1, 1]} : vector<32x65536xf32> to vector<32x128xf32>
    %slice3A_891 = vector.extract_strided_slice %get3A_1 {offsets = [0, 50944], sizes = [32, 128], strides = [1, 1]} : vector<32x65536xf32> to vector<32x128xf32>
    %slice3A_892 = vector.extract_strided_slice %get3A_1 {offsets = [0, 51072], sizes = [32, 128], strides = [1, 1]} : vector<32x65536xf32> to vector<32x128xf32>
    %concatenate3A_893 = tpu.concatenate %slice3A_889, %slice3A_890, %slice3A_891, %slice3A_892 in 0 : vector<32x128xf32>, vector<32x128xf32>, vector<32x128xf32>, vector<32x128xf32> -> vector<128x128xf32>
    %transpose3A_894 = tpu.transpose %concatenate3A_893, [1, 0] : vector<128x128xf32> -> vector<128x128xf32>
    %swap3A_895 = arith.constant 12672 : index
    %swap3A_896 = arith.constant 0 : index
    %swap3A_897 = vector.load %arg2[%swap3A_895, %swap3A_896] : memref<16384x128xf32, #tpu.memory_space<vmem>>, vector<128x128xf32>
    tpu.vector_store %arg2[%swap3A_895, %swap3A_896], %transpose3A_894 {strides = array<i32>} : memref<16384x128xf32, #tpu.memory_space<vmem>>, vector<128x128xf32>,
    %slice3A_898 = vector.extract_strided_slice %get3A_1 {offsets = [0, 51200], sizes = [32, 128], strides = [1, 1]} : vector<32x65536xf32> to vector<32x128xf32>
    %slice3A_899 = vector.extract_strided_slice %get3A_1 {offsets = [0, 51328], sizes = [32, 128], strides = [1, 1]} : vector<32x65536xf32> to vector<32x128xf32>
    %slice3A_900 = vector.extract_strided_slice %get3A_1 {offsets = [0, 51456], sizes = [32, 128], strides = [1, 1]} : vector<32x65536xf32> to vector<32x128xf32>
    %slice3A_901 = vector.extract_strided_slice %get3A_1 {offsets = [0, 51584], sizes = [32, 128], strides = [1, 1]} : vector<32x65536xf32> to vector<32x128xf32>
    %concatenate3A_902 = tpu.concatenate %slice3A_898, %slice3A_899, %slice3A_900, %slice3A_901 in 0 : vector<32x128xf32>, vector<32x128xf32>, vector<32x128xf32>, vector<32x128xf32> -> vector<128x128xf32>
    %transpose3A_903 = tpu.transpose %concatenate3A_902, [1, 0] : vector<128x128xf32> -> vector<128x128xf32>
    %swap3A_904 = arith.constant 12800 : index
    %swap3A_905 = arith.constant 0 : index
    %swap3A_906 = vector.load %arg2[%swap3A_904, %swap3A_905] : memref<16384x128xf32, #tpu.memory_space<vmem>>, vector<128x128xf32>
    tpu.vector_store %arg2[%swap3A_904, %swap3A_905], %transpose3A_903 {strides = array<i32>} : memref<16384x128xf32, #tpu.memory_space<vmem>>, vector<128x128xf32>,
    %slice3A_907 = vector.extract_strided_slice %get3A_1 {offsets = [0, 51712], sizes = [32, 128], strides = [1, 1]} : vector<32x65536xf32> to vector<32x128xf32>
    %slice3A_908 = vector.extract_strided_slice %get3A_1 {offsets = [0, 51840], sizes = [32, 128], strides = [1, 1]} : vector<32x65536xf32> to vector<32x128xf32>
    %slice3A_909 = vector.extract_strided_slice %get3A_1 {offsets = [0, 51968], sizes = [32, 128], strides = [1, 1]} : vector<32x65536xf32> to vector<32x128xf32>
    %slice3A_910 = vector.extract_strided_slice %get3A_1 {offsets = [0, 52096], sizes = [32, 128], strides = [1, 1]} : vector<32x65536xf32> to vector<32x128xf32>
    %concatenate3A_911 = tpu.concatenate %slice3A_907, %slice3A_908, %slice3A_909, %slice3A_910 in 0 : vector<32x128xf32>, vector<32x128xf32>, vector<32x128xf32>, vector<32x128xf32> -> vector<128x128xf32>
    %transpose3A_912 = tpu.transpose %concatenate3A_911, [1, 0] : vector<128x128xf32> -> vector<128x128xf32>
    %swap3A_913 = arith.constant 12928 : index
    %swap3A_914 = arith.constant 0 : index
    %swap3A_915 = vector.load %arg2[%swap3A_913, %swap3A_914] : memref<16384x128xf32, #tpu.memory_space<vmem>>, vector<128x128xf32>
    tpu.vector_store %arg2[%swap3A_913, %swap3A_914], %transpose3A_912 {strides = array<i32>} : memref<16384x128xf32, #tpu.memory_space<vmem>>, vector<128x128xf32>,
    %slice3A_916 = vector.extract_strided_slice %get3A_1 {offsets = [0, 52224], sizes = [32, 128], strides = [1, 1]} : vector<32x65536xf32> to vector<32x128xf32>
    %slice3A_917 = vector.extract_strided_slice %get3A_1 {offsets = [0, 52352], sizes = [32, 128], strides = [1, 1]} : vector<32x65536xf32> to vector<32x128xf32>
    %slice3A_918 = vector.extract_strided_slice %get3A_1 {offsets = [0, 52480], sizes = [32, 128], strides = [1, 1]} : vector<32x65536xf32> to vector<32x128xf32>
    %slice3A_919 = vector.extract_strided_slice %get3A_1 {offsets = [0, 52608], sizes = [32, 128], strides = [1, 1]} : vector<32x65536xf32> to vector<32x128xf32>
    %concatenate3A_920 = tpu.concatenate %slice3A_916, %slice3A_917, %slice3A_918, %slice3A_919 in 0 : vector<32x128xf32>, vector<32x128xf32>, vector<32x128xf32>, vector<32x128xf32> -> vector<128x128xf32>
    %transpose3A_921 = tpu.transpose %concatenate3A_920, [1, 0] : vector<128x128xf32> -> vector<128x128xf32>
    %swap3A_922 = arith.constant 13056 : index
    %swap3A_923 = arith.constant 0 : index
    %swap3A_924 = vector.load %arg2[%swap3A_922, %swap3A_923] : memref<16384x128xf32, #tpu.memory_space<vmem>>, vector<128x128xf32>
    tpu.vector_store %arg2[%swap3A_922, %swap3A_923], %transpose3A_921 {strides = array<i32>} : memref<16384x128xf32, #tpu.memory_space<vmem>>, vector<128x128xf32>,
    %slice3A_925 = vector.extract_strided_slice %get3A_1 {offsets = [0, 52736], sizes = [32, 128], strides = [1, 1]} : vector<32x65536xf32> to vector<32x128xf32>
    %slice3A_926 = vector.extract_strided_slice %get3A_1 {offsets = [0, 52864], sizes = [32, 128], strides = [1, 1]} : vector<32x65536xf32> to vector<32x128xf32>
    %slice3A_927 = vector.extract_strided_slice %get3A_1 {offsets = [0, 52992], sizes = [32, 128], strides = [1, 1]} : vector<32x65536xf32> to vector<32x128xf32>
    %slice3A_928 = vector.extract_strided_slice %get3A_1 {offsets = [0, 53120], sizes = [32, 128], strides = [1, 1]} : vector<32x65536xf32> to vector<32x128xf32>
    %concatenate3A_929 = tpu.concatenate %slice3A_925, %slice3A_926, %slice3A_927, %slice3A_928 in 0 : vector<32x128xf32>, vector<32x128xf32>, vector<32x128xf32>, vector<32x128xf32> -> vector<128x128xf32>
    %transpose3A_930 = tpu.transpose %concatenate3A_929, [1, 0] : vector<128x128xf32> -> vector<128x128xf32>
    %swap3A_931 = arith.constant 13184 : index
    %swap3A_932 = arith.constant 0 : index
    %swap3A_933 = vector.load %arg2[%swap3A_931, %swap3A_932] : memref<16384x128xf32, #tpu.memory_space<vmem>>, vector<128x128xf32>
    tpu.vector_store %arg2[%swap3A_931, %swap3A_932], %transpose3A_930 {strides = array<i32>} : memref<16384x128xf32, #tpu.memory_space<vmem>>, vector<128x128xf32>,
    %slice3A_934 = vector.extract_strided_slice %get3A_1 {offsets = [0, 53248], sizes = [32, 128], strides = [1, 1]} : vector<32x65536xf32> to vector<32x128xf32>
    %slice3A_935 = vector.extract_strided_slice %get3A_1 {offsets = [0, 53376], sizes = [32, 128], strides = [1, 1]} : vector<32x65536xf32> to vector<32x128xf32>
    %slice3A_936 = vector.extract_strided_slice %get3A_1 {offsets = [0, 53504], sizes = [32, 128], strides = [1, 1]} : vector<32x65536xf32> to vector<32x128xf32>
    %slice3A_937 = vector.extract_strided_slice %get3A_1 {offsets = [0, 53632], sizes = [32, 128], strides = [1, 1]} : vector<32x65536xf32> to vector<32x128xf32>
    %concatenate3A_938 = tpu.concatenate %slice3A_934, %slice3A_935, %slice3A_936, %slice3A_937 in 0 : vector<32x128xf32>, vector<32x128xf32>, vector<32x128xf32>, vector<32x128xf32> -> vector<128x128xf32>
    %transpose3A_939 = tpu.transpose %concatenate3A_938, [1, 0] : vector<128x128xf32> -> vector<128x128xf32>
    %swap3A_940 = arith.constant 13312 : index
    %swap3A_941 = arith.constant 0 : index
    %swap3A_942 = vector.load %arg2[%swap3A_940, %swap3A_941] : memref<16384x128xf32, #tpu.memory_space<vmem>>, vector<128x128xf32>
    tpu.vector_store %arg2[%swap3A_940, %swap3A_941], %transpose3A_939 {strides = array<i32>} : memref<16384x128xf32, #tpu.memory_space<vmem>>, vector<128x128xf32>,
    %slice3A_943 = vector.extract_strided_slice %get3A_1 {offsets = [0, 53760], sizes = [32, 128], strides = [1, 1]} : vector<32x65536xf32> to vector<32x128xf32>
    %slice3A_944 = vector.extract_strided_slice %get3A_1 {offsets = [0, 53888], sizes = [32, 128], strides = [1, 1]} : vector<32x65536xf32> to vector<32x128xf32>
    %slice3A_945 = vector.extract_strided_slice %get3A_1 {offsets = [0, 54016], sizes = [32, 128], strides = [1, 1]} : vector<32x65536xf32> to vector<32x128xf32>
    %slice3A_946 = vector.extract_strided_slice %get3A_1 {offsets = [0, 54144], sizes = [32, 128], strides = [1, 1]} : vector<32x65536xf32> to vector<32x128xf32>
    %concatenate3A_947 = tpu.concatenate %slice3A_943, %slice3A_944, %slice3A_945, %slice3A_946 in 0 : vector<32x128xf32>, vector<32x128xf32>, vector<32x128xf32>, vector<32x128xf32> -> vector<128x128xf32>
    %transpose3A_948 = tpu.transpose %concatenate3A_947, [1, 0] : vector<128x128xf32> -> vector<128x128xf32>
    %swap3A_949 = arith.constant 13440 : index
    %swap3A_950 = arith.constant 0 : index
    %swap3A_951 = vector.load %arg2[%swap3A_949, %swap3A_950] : memref<16384x128xf32, #tpu.memory_space<vmem>>, vector<128x128xf32>
    tpu.vector_store %arg2[%swap3A_949, %swap3A_950], %transpose3A_948 {strides = array<i32>} : memref<16384x128xf32, #tpu.memory_space<vmem>>, vector<128x128xf32>,
    %slice3A_952 = vector.extract_strided_slice %get3A_1 {offsets = [0, 54272], sizes = [32, 128], strides = [1, 1]} : vector<32x65536xf32> to vector<32x128xf32>
    %slice3A_953 = vector.extract_strided_slice %get3A_1 {offsets = [0, 54400], sizes = [32, 128], strides = [1, 1]} : vector<32x65536xf32> to vector<32x128xf32>
    %slice3A_954 = vector.extract_strided_slice %get3A_1 {offsets = [0, 54528], sizes = [32, 128], strides = [1, 1]} : vector<32x65536xf32> to vector<32x128xf32>
    %slice3A_955 = vector.extract_strided_slice %get3A_1 {offsets = [0, 54656], sizes = [32, 128], strides = [1, 1]} : vector<32x65536xf32> to vector<32x128xf32>
    %concatenate3A_956 = tpu.concatenate %slice3A_952, %slice3A_953, %slice3A_954, %slice3A_955 in 0 : vector<32x128xf32>, vector<32x128xf32>, vector<32x128xf32>, vector<32x128xf32> -> vector<128x128xf32>
    %transpose3A_957 = tpu.transpose %concatenate3A_956, [1, 0] : vector<128x128xf32> -> vector<128x128xf32>
    %swap3A_958 = arith.constant 13568 : index
    %swap3A_959 = arith.constant 0 : index
    %swap3A_960 = vector.load %arg2[%swap3A_958, %swap3A_959] : memref<16384x128xf32, #tpu.memory_space<vmem>>, vector<128x128xf32>
    tpu.vector_store %arg2[%swap3A_958, %swap3A_959], %transpose3A_957 {strides = array<i32>} : memref<16384x128xf32, #tpu.memory_space<vmem>>, vector<128x128xf32>,
    %slice3A_961 = vector.extract_strided_slice %get3A_1 {offsets = [0, 54784], sizes = [32, 128], strides = [1, 1]} : vector<32x65536xf32> to vector<32x128xf32>
    %slice3A_962 = vector.extract_strided_slice %get3A_1 {offsets = [0, 54912], sizes = [32, 128], strides = [1, 1]} : vector<32x65536xf32> to vector<32x128xf32>
    %slice3A_963 = vector.extract_strided_slice %get3A_1 {offsets = [0, 55040], sizes = [32, 128], strides = [1, 1]} : vector<32x65536xf32> to vector<32x128xf32>
    %slice3A_964 = vector.extract_strided_slice %get3A_1 {offsets = [0, 55168], sizes = [32, 128], strides = [1, 1]} : vector<32x65536xf32> to vector<32x128xf32>
    %concatenate3A_965 = tpu.concatenate %slice3A_961, %slice3A_962, %slice3A_963, %slice3A_964 in 0 : vector<32x128xf32>, vector<32x128xf32>, vector<32x128xf32>, vector<32x128xf32> -> vector<128x128xf32>
    %transpose3A_966 = tpu.transpose %concatenate3A_965, [1, 0] : vector<128x128xf32> -> vector<128x128xf32>
    %swap3A_967 = arith.constant 13696 : index
    %swap3A_968 = arith.constant 0 : index
    %swap3A_969 = vector.load %arg2[%swap3A_967, %swap3A_968] : memref<16384x128xf32, #tpu.memory_space<vmem>>, vector<128x128xf32>
    tpu.vector_store %arg2[%swap3A_967, %swap3A_968], %transpose3A_966 {strides = array<i32>} : memref<16384x128xf32, #tpu.memory_space<vmem>>, vector<128x128xf32>,
    %slice3A_970 = vector.extract_strided_slice %get3A_1 {offsets = [0, 55296], sizes = [32, 128], strides = [1, 1]} : vector<32x65536xf32> to vector<32x128xf32>
    %slice3A_971 = vector.extract_strided_slice %get3A_1 {offsets = [0, 55424], sizes = [32, 128], strides = [1, 1]} : vector<32x65536xf32> to vector<32x128xf32>
    %slice3A_972 = vector.extract_strided_slice %get3A_1 {offsets = [0, 55552], sizes = [32, 128], strides = [1, 1]} : vector<32x65536xf32> to vector<32x128xf32>
    %slice3A_973 = vector.extract_strided_slice %get3A_1 {offsets = [0, 55680], sizes = [32, 128], strides = [1, 1]} : vector<32x65536xf32> to vector<32x128xf32>
    %concatenate3A_974 = tpu.concatenate %slice3A_970, %slice3A_971, %slice3A_972, %slice3A_973 in 0 : vector<32x128xf32>, vector<32x128xf32>, vector<32x128xf32>, vector<32x128xf32> -> vector<128x128xf32>
    %transpose3A_975 = tpu.transpose %concatenate3A_974, [1, 0] : vector<128x128xf32> -> vector<128x128xf32>
    %swap3A_976 = arith.constant 13824 : index
    %swap3A_977 = arith.constant 0 : index
    %swap3A_978 = vector.load %arg2[%swap3A_976, %swap3A_977] : memref<16384x128xf32, #tpu.memory_space<vmem>>, vector<128x128xf32>
    tpu.vector_store %arg2[%swap3A_976, %swap3A_977], %transpose3A_975 {strides = array<i32>} : memref<16384x128xf32, #tpu.memory_space<vmem>>, vector<128x128xf32>,
    %slice3A_979 = vector.extract_strided_slice %get3A_1 {offsets = [0, 55808], sizes = [32, 128], strides = [1, 1]} : vector<32x65536xf32> to vector<32x128xf32>
    %slice3A_980 = vector.extract_strided_slice %get3A_1 {offsets = [0, 55936], sizes = [32, 128], strides = [1, 1]} : vector<32x65536xf32> to vector<32x128xf32>
    %slice3A_981 = vector.extract_strided_slice %get3A_1 {offsets = [0, 56064], sizes = [32, 128], strides = [1, 1]} : vector<32x65536xf32> to vector<32x128xf32>
    %slice3A_982 = vector.extract_strided_slice %get3A_1 {offsets = [0, 56192], sizes = [32, 128], strides = [1, 1]} : vector<32x65536xf32> to vector<32x128xf32>
    %concatenate3A_983 = tpu.concatenate %slice3A_979, %slice3A_980, %slice3A_981, %slice3A_982 in 0 : vector<32x128xf32>, vector<32x128xf32>, vector<32x128xf32>, vector<32x128xf32> -> vector<128x128xf32>
    %transpose3A_984 = tpu.transpose %concatenate3A_983, [1, 0] : vector<128x128xf32> -> vector<128x128xf32>
    %swap3A_985 = arith.constant 13952 : index
    %swap3A_986 = arith.constant 0 : index
    %swap3A_987 = vector.load %arg2[%swap3A_985, %swap3A_986] : memref<16384x128xf32, #tpu.memory_space<vmem>>, vector<128x128xf32>
    tpu.vector_store %arg2[%swap3A_985, %swap3A_986], %transpose3A_984 {strides = array<i32>} : memref<16384x128xf32, #tpu.memory_space<vmem>>, vector<128x128xf32>,
    %slice3A_988 = vector.extract_strided_slice %get3A_1 {offsets = [0, 56320], sizes = [32, 128], strides = [1, 1]} : vector<32x65536xf32> to vector<32x128xf32>
    %slice3A_989 = vector.extract_strided_slice %get3A_1 {offsets = [0, 56448], sizes = [32, 128], strides = [1, 1]} : vector<32x65536xf32> to vector<32x128xf32>
    %slice3A_990 = vector.extract_strided_slice %get3A_1 {offsets = [0, 56576], sizes = [32, 128], strides = [1, 1]} : vector<32x65536xf32> to vector<32x128xf32>
    %slice3A_991 = vector.extract_strided_slice %get3A_1 {offsets = [0, 56704], sizes = [32, 128], strides = [1, 1]} : vector<32x65536xf32> to vector<32x128xf32>
    %concatenate3A_992 = tpu.concatenate %slice3A_988, %slice3A_989, %slice3A_990, %slice3A_991 in 0 : vector<32x128xf32>, vector<32x128xf32>, vector<32x128xf32>, vector<32x128xf32> -> vector<128x128xf32>
    %transpose3A_993 = tpu.transpose %concatenate3A_992, [1, 0] : vector<128x128xf32> -> vector<128x128xf32>
    %swap3A_994 = arith.constant 14080 : index
    %swap3A_995 = arith.constant 0 : index
    %swap3A_996 = vector.load %arg2[%swap3A_994, %swap3A_995] : memref<16384x128xf32, #tpu.memory_space<vmem>>, vector<128x128xf32>
    tpu.vector_store %arg2[%swap3A_994, %swap3A_995], %transpose3A_993 {strides = array<i32>} : memref<16384x128xf32, #tpu.memory_space<vmem>>, vector<128x128xf32>,
    %slice3A_997 = vector.extract_strided_slice %get3A_1 {offsets = [0, 56832], sizes = [32, 128], strides = [1, 1]} : vector<32x65536xf32> to vector<32x128xf32>
    %slice3A_998 = vector.extract_strided_slice %get3A_1 {offsets = [0, 56960], sizes = [32, 128], strides = [1, 1]} : vector<32x65536xf32> to vector<32x128xf32>
    %slice3A_999 = vector.extract_strided_slice %get3A_1 {offsets = [0, 57088], sizes = [32, 128], strides = [1, 1]} : vector<32x65536xf32> to vector<32x128xf32>
    %slice3A_1000 = vector.extract_strided_slice %get3A_1 {offsets = [0, 57216], sizes = [32, 128], strides = [1, 1]} : vector<32x65536xf32> to vector<32x128xf32>
    %concatenate3A_1001 = tpu.concatenate %slice3A_997, %slice3A_998, %slice3A_999, %slice3A_1000 in 0 : vector<32x128xf32>, vector<32x128xf32>, vector<32x128xf32>, vector<32x128xf32> -> vector<128x128xf32>
    %transpose3A_1002 = tpu.transpose %concatenate3A_1001, [1, 0] : vector<128x128xf32> -> vector<128x128xf32>
    %swap3A_1003 = arith.constant 14208 : index
    %swap3A_1004 = arith.constant 0 : index
    %swap3A_1005 = vector.load %arg2[%swap3A_1003, %swap3A_1004] : memref<16384x128xf32, #tpu.memory_space<vmem>>, vector<128x128xf32>
    tpu.vector_store %arg2[%swap3A_1003, %swap3A_1004], %transpose3A_1002 {strides = array<i32>} : memref<16384x128xf32, #tpu.memory_space<vmem>>, vector<128x128xf32>,
    %slice3A_1006 = vector.extract_strided_slice %get3A_1 {offsets = [0, 57344], sizes = [32, 128], strides = [1, 1]} : vector<32x65536xf32> to vector<32x128xf32>
    %slice3A_1007 = vector.extract_strided_slice %get3A_1 {offsets = [0, 57472], sizes = [32, 128], strides = [1, 1]} : vector<32x65536xf32> to vector<32x128xf32>
    %slice3A_1008 = vector.extract_strided_slice %get3A_1 {offsets = [0, 57600], sizes = [32, 128], strides = [1, 1]} : vector<32x65536xf32> to vector<32x128xf32>
    %slice3A_1009 = vector.extract_strided_slice %get3A_1 {offsets = [0, 57728], sizes = [32, 128], strides = [1, 1]} : vector<32x65536xf32> to vector<32x128xf32>
    %concatenate3A_1010 = tpu.concatenate %slice3A_1006, %slice3A_1007, %slice3A_1008, %slice3A_1009 in 0 : vector<32x128xf32>, vector<32x128xf32>, vector<32x128xf32>, vector<32x128xf32> -> vector<128x128xf32>
    %transpose3A_1011 = tpu.transpose %concatenate3A_1010, [1, 0] : vector<128x128xf32> -> vector<128x128xf32>
    %swap3A_1012 = arith.constant 14336 : index
    %swap3A_1013 = arith.constant 0 : index
    %swap3A_1014 = vector.load %arg2[%swap3A_1012, %swap3A_1013] : memref<16384x128xf32, #tpu.memory_space<vmem>>, vector<128x128xf32>
    tpu.vector_store %arg2[%swap3A_1012, %swap3A_1013], %transpose3A_1011 {strides = array<i32>} : memref<16384x128xf32, #tpu.memory_space<vmem>>, vector<128x128xf32>,
    %slice3A_1015 = vector.extract_strided_slice %get3A_1 {offsets = [0, 57856], sizes = [32, 128], strides = [1, 1]} : vector<32x65536xf32> to vector<32x128xf32>
    %slice3A_1016 = vector.extract_strided_slice %get3A_1 {offsets = [0, 57984], sizes = [32, 128], strides = [1, 1]} : vector<32x65536xf32> to vector<32x128xf32>
    %slice3A_1017 = vector.extract_strided_slice %get3A_1 {offsets = [0, 58112], sizes = [32, 128], strides = [1, 1]} : vector<32x65536xf32> to vector<32x128xf32>
    %slice3A_1018 = vector.extract_strided_slice %get3A_1 {offsets = [0, 58240], sizes = [32, 128], strides = [1, 1]} : vector<32x65536xf32> to vector<32x128xf32>
    %concatenate3A_1019 = tpu.concatenate %slice3A_1015, %slice3A_1016, %slice3A_1017, %slice3A_1018 in 0 : vector<32x128xf32>, vector<32x128xf32>, vector<32x128xf32>, vector<32x128xf32> -> vector<128x128xf32>
    %transpose3A_1020 = tpu.transpose %concatenate3A_1019, [1, 0] : vector<128x128xf32> -> vector<128x128xf32>
    %swap3A_1021 = arith.constant 14464 : index
    %swap3A_1022 = arith.constant 0 : index
    %swap3A_1023 = vector.load %arg2[%swap3A_1021, %swap3A_1022] : memref<16384x128xf32, #tpu.memory_space<vmem>>, vector<128x128xf32>
    tpu.vector_store %arg2[%swap3A_1021, %swap3A_1022], %transpose3A_1020 {strides = array<i32>} : memref<16384x128xf32, #tpu.memory_space<vmem>>, vector<128x128xf32>,
    %slice3A_1024 = vector.extract_strided_slice %get3A_1 {offsets = [0, 58368], sizes = [32, 128], strides = [1, 1]} : vector<32x65536xf32> to vector<32x128xf32>
    %slice3A_1025 = vector.extract_strided_slice %get3A_1 {offsets = [0, 58496], sizes = [32, 128], strides = [1, 1]} : vector<32x65536xf32> to vector<32x128xf32>
    %slice3A_1026 = vector.extract_strided_slice %get3A_1 {offsets = [0, 58624], sizes = [32, 128], strides = [1, 1]} : vector<32x65536xf32> to vector<32x128xf32>
    %slice3A_1027 = vector.extract_strided_slice %get3A_1 {offsets = [0, 58752], sizes = [32, 128], strides = [1, 1]} : vector<32x65536xf32> to vector<32x128xf32>
    %concatenate3A_1028 = tpu.concatenate %slice3A_1024, %slice3A_1025, %slice3A_1026, %slice3A_1027 in 0 : vector<32x128xf32>, vector<32x128xf32>, vector<32x128xf32>, vector<32x128xf32> -> vector<128x128xf32>
    %transpose3A_1029 = tpu.transpose %concatenate3A_1028, [1, 0] : vector<128x128xf32> -> vector<128x128xf32>
    %swap3A_1030 = arith.constant 14592 : index
    %swap3A_1031 = arith.constant 0 : index
    %swap3A_1032 = vector.load %arg2[%swap3A_1030, %swap3A_1031] : memref<16384x128xf32, #tpu.memory_space<vmem>>, vector<128x128xf32>
    tpu.vector_store %arg2[%swap3A_1030, %swap3A_1031], %transpose3A_1029 {strides = array<i32>} : memref<16384x128xf32, #tpu.memory_space<vmem>>, vector<128x128xf32>,
    %slice3A_1033 = vector.extract_strided_slice %get3A_1 {offsets = [0, 58880], sizes = [32, 128], strides = [1, 1]} : vector<32x65536xf32> to vector<32x128xf32>
    %slice3A_1034 = vector.extract_strided_slice %get3A_1 {offsets = [0, 59008], sizes = [32, 128], strides = [1, 1]} : vector<32x65536xf32> to vector<32x128xf32>
    %slice3A_1035 = vector.extract_strided_slice %get3A_1 {offsets = [0, 59136], sizes = [32, 128], strides = [1, 1]} : vector<32x65536xf32> to vector<32x128xf32>
    %slice3A_1036 = vector.extract_strided_slice %get3A_1 {offsets = [0, 59264], sizes = [32, 128], strides = [1, 1]} : vector<32x65536xf32> to vector<32x128xf32>
    %concatenate3A_1037 = tpu.concatenate %slice3A_1033, %slice3A_1034, %slice3A_1035, %slice3A_1036 in 0 : vector<32x128xf32>, vector<32x128xf32>, vector<32x128xf32>, vector<32x128xf32> -> vector<128x128xf32>
    %transpose3A_1038 = tpu.transpose %concatenate3A_1037, [1, 0] : vector<128x128xf32> -> vector<128x128xf32>
    %swap3A_1039 = arith.constant 14720 : index
    %swap3A_1040 = arith.constant 0 : index
    %swap3A_1041 = vector.load %arg2[%swap3A_1039, %swap3A_1040] : memref<16384x128xf32, #tpu.memory_space<vmem>>, vector<128x128xf32>
    tpu.vector_store %arg2[%swap3A_1039, %swap3A_1040], %transpose3A_1038 {strides = array<i32>} : memref<16384x128xf32, #tpu.memory_space<vmem>>, vector<128x128xf32>,
    %slice3A_1042 = vector.extract_strided_slice %get3A_1 {offsets = [0, 59392], sizes = [32, 128], strides = [1, 1]} : vector<32x65536xf32> to vector<32x128xf32>
    %slice3A_1043 = vector.extract_strided_slice %get3A_1 {offsets = [0, 59520], sizes = [32, 128], strides = [1, 1]} : vector<32x65536xf32> to vector<32x128xf32>
    %slice3A_1044 = vector.extract_strided_slice %get3A_1 {offsets = [0, 59648], sizes = [32, 128], strides = [1, 1]} : vector<32x65536xf32> to vector<32x128xf32>
    %slice3A_1045 = vector.extract_strided_slice %get3A_1 {offsets = [0, 59776], sizes = [32, 128], strides = [1, 1]} : vector<32x65536xf32> to vector<32x128xf32>
    %concatenate3A_1046 = tpu.concatenate %slice3A_1042, %slice3A_1043, %slice3A_1044, %slice3A_1045 in 0 : vector<32x128xf32>, vector<32x128xf32>, vector<32x128xf32>, vector<32x128xf32> -> vector<128x128xf32>
    %transpose3A_1047 = tpu.transpose %concatenate3A_1046, [1, 0] : vector<128x128xf32> -> vector<128x128xf32>
    %swap3A_1048 = arith.constant 14848 : index
    %swap3A_1049 = arith.constant 0 : index
    %swap3A_1050 = vector.load %arg2[%swap3A_1048, %swap3A_1049] : memref<16384x128xf32, #tpu.memory_space<vmem>>, vector<128x128xf32>
    tpu.vector_store %arg2[%swap3A_1048, %swap3A_1049], %transpose3A_1047 {strides = array<i32>} : memref<16384x128xf32, #tpu.memory_space<vmem>>, vector<128x128xf32>,
    %slice3A_1051 = vector.extract_strided_slice %get3A_1 {offsets = [0, 59904], sizes = [32, 128], strides = [1, 1]} : vector<32x65536xf32> to vector<32x128xf32>
    %slice3A_1052 = vector.extract_strided_slice %get3A_1 {offsets = [0, 60032], sizes = [32, 128], strides = [1, 1]} : vector<32x65536xf32> to vector<32x128xf32>
    %slice3A_1053 = vector.extract_strided_slice %get3A_1 {offsets = [0, 60160], sizes = [32, 128], strides = [1, 1]} : vector<32x65536xf32> to vector<32x128xf32>
    %slice3A_1054 = vector.extract_strided_slice %get3A_1 {offsets = [0, 60288], sizes = [32, 128], strides = [1, 1]} : vector<32x65536xf32> to vector<32x128xf32>
    %concatenate3A_1055 = tpu.concatenate %slice3A_1051, %slice3A_1052, %slice3A_1053, %slice3A_1054 in 0 : vector<32x128xf32>, vector<32x128xf32>, vector<32x128xf32>, vector<32x128xf32> -> vector<128x128xf32>
    %transpose3A_1056 = tpu.transpose %concatenate3A_1055, [1, 0] : vector<128x128xf32> -> vector<128x128xf32>
    %swap3A_1057 = arith.constant 14976 : index
    %swap3A_1058 = arith.constant 0 : index
    %swap3A_1059 = vector.load %arg2[%swap3A_1057, %swap3A_1058] : memref<16384x128xf32, #tpu.memory_space<vmem>>, vector<128x128xf32>
    tpu.vector_store %arg2[%swap3A_1057, %swap3A_1058], %transpose3A_1056 {strides = array<i32>} : memref<16384x128xf32, #tpu.memory_space<vmem>>, vector<128x128xf32>,
    %slice3A_1060 = vector.extract_strided_slice %get3A_1 {offsets = [0, 60416], sizes = [32, 128], strides = [1, 1]} : vector<32x65536xf32> to vector<32x128xf32>
    %slice3A_1061 = vector.extract_strided_slice %get3A_1 {offsets = [0, 60544], sizes = [32, 128], strides = [1, 1]} : vector<32x65536xf32> to vector<32x128xf32>
    %slice3A_1062 = vector.extract_strided_slice %get3A_1 {offsets = [0, 60672], sizes = [32, 128], strides = [1, 1]} : vector<32x65536xf32> to vector<32x128xf32>
    %slice3A_1063 = vector.extract_strided_slice %get3A_1 {offsets = [0, 60800], sizes = [32, 128], strides = [1, 1]} : vector<32x65536xf32> to vector<32x128xf32>
    %concatenate3A_1064 = tpu.concatenate %slice3A_1060, %slice3A_1061, %slice3A_1062, %slice3A_1063 in 0 : vector<32x128xf32>, vector<32x128xf32>, vector<32x128xf32>, vector<32x128xf32> -> vector<128x128xf32>
    %transpose3A_1065 = tpu.transpose %concatenate3A_1064, [1, 0] : vector<128x128xf32> -> vector<128x128xf32>
    %swap3A_1066 = arith.constant 15104 : index
    %swap3A_1067 = arith.constant 0 : index
    %swap3A_1068 = vector.load %arg2[%swap3A_1066, %swap3A_1067] : memref<16384x128xf32, #tpu.memory_space<vmem>>, vector<128x128xf32>
    tpu.vector_store %arg2[%swap3A_1066, %swap3A_1067], %transpose3A_1065 {strides = array<i32>} : memref<16384x128xf32, #tpu.memory_space<vmem>>, vector<128x128xf32>,
    %slice3A_1069 = vector.extract_strided_slice %get3A_1 {offsets = [0, 60928], sizes = [32, 128], strides = [1, 1]} : vector<32x65536xf32> to vector<32x128xf32>
    %slice3A_1070 = vector.extract_strided_slice %get3A_1 {offsets = [0, 61056], sizes = [32, 128], strides = [1, 1]} : vector<32x65536xf32> to vector<32x128xf32>
    %slice3A_1071 = vector.extract_strided_slice %get3A_1 {offsets = [0, 61184], sizes = [32, 128], strides = [1, 1]} : vector<32x65536xf32> to vector<32x128xf32>
    %slice3A_1072 = vector.extract_strided_slice %get3A_1 {offsets = [0, 61312], sizes = [32, 128], strides = [1, 1]} : vector<32x65536xf32> to vector<32x128xf32>
    %concatenate3A_1073 = tpu.concatenate %slice3A_1069, %slice3A_1070, %slice3A_1071, %slice3A_1072 in 0 : vector<32x128xf32>, vector<32x128xf32>, vector<32x128xf32>, vector<32x128xf32> -> vector<128x128xf32>
    %transpose3A_1074 = tpu.transpose %concatenate3A_1073, [1, 0] : vector<128x128xf32> -> vector<128x128xf32>
    %swap3A_1075 = arith.constant 15232 : index
    %swap3A_1076 = arith.constant 0 : index
    %swap3A_1077 = vector.load %arg2[%swap3A_1075, %swap3A_1076] : memref<16384x128xf32, #tpu.memory_space<vmem>>, vector<128x128xf32>
    tpu.vector_store %arg2[%swap3A_1075, %swap3A_1076], %transpose3A_1074 {strides = array<i32>} : memref<16384x128xf32, #tpu.memory_space<vmem>>, vector<128x128xf32>,
    %slice3A_1078 = vector.extract_strided_slice %get3A_1 {offsets = [0, 61440], sizes = [32, 128], strides = [1, 1]} : vector<32x65536xf32> to vector<32x128xf32>
    %slice3A_1079 = vector.extract_strided_slice %get3A_1 {offsets = [0, 61568], sizes = [32, 128], strides = [1, 1]} : vector<32x65536xf32> to vector<32x128xf32>
    %slice3A_1080 = vector.extract_strided_slice %get3A_1 {offsets = [0, 61696], sizes = [32, 128], strides = [1, 1]} : vector<32x65536xf32> to vector<32x128xf32>
    %slice3A_1081 = vector.extract_strided_slice %get3A_1 {offsets = [0, 61824], sizes = [32, 128], strides = [1, 1]} : vector<32x65536xf32> to vector<32x128xf32>
    %concatenate3A_1082 = tpu.concatenate %slice3A_1078, %slice3A_1079, %slice3A_1080, %slice3A_1081 in 0 : vector<32x128xf32>, vector<32x128xf32>, vector<32x128xf32>, vector<32x128xf32> -> vector<128x128xf32>
    %transpose3A_1083 = tpu.transpose %concatenate3A_1082, [1, 0] : vector<128x128xf32> -> vector<128x128xf32>
    %swap3A_1084 = arith.constant 15360 : index
    %swap3A_1085 = arith.constant 0 : index
    %swap3A_1086 = vector.load %arg2[%swap3A_1084, %swap3A_1085] : memref<16384x128xf32, #tpu.memory_space<vmem>>, vector<128x128xf32>
    tpu.vector_store %arg2[%swap3A_1084, %swap3A_1085], %transpose3A_1083 {strides = array<i32>} : memref<16384x128xf32, #tpu.memory_space<vmem>>, vector<128x128xf32>,
    %slice3A_1087 = vector.extract_strided_slice %get3A_1 {offsets = [0, 61952], sizes = [32, 128], strides = [1, 1]} : vector<32x65536xf32> to vector<32x128xf32>
    %slice3A_1088 = vector.extract_strided_slice %get3A_1 {offsets = [0, 62080], sizes = [32, 128], strides = [1, 1]} : vector<32x65536xf32> to vector<32x128xf32>
    %slice3A_1089 = vector.extract_strided_slice %get3A_1 {offsets = [0, 62208], sizes = [32, 128], strides = [1, 1]} : vector<32x65536xf32> to vector<32x128xf32>
    %slice3A_1090 = vector.extract_strided_slice %get3A_1 {offsets = [0, 62336], sizes = [32, 128], strides = [1, 1]} : vector<32x65536xf32> to vector<32x128xf32>
    %concatenate3A_1091 = tpu.concatenate %slice3A_1087, %slice3A_1088, %slice3A_1089, %slice3A_1090 in 0 : vector<32x128xf32>, vector<32x128xf32>, vector<32x128xf32>, vector<32x128xf32> -> vector<128x128xf32>
    %transpose3A_1092 = tpu.transpose %concatenate3A_1091, [1, 0] : vector<128x128xf32> -> vector<128x128xf32>
    %swap3A_1093 = arith.constant 15488 : index
    %swap3A_1094 = arith.constant 0 : index
    %swap3A_1095 = vector.load %arg2[%swap3A_1093, %swap3A_1094] : memref<16384x128xf32, #tpu.memory_space<vmem>>, vector<128x128xf32>
    tpu.vector_store %arg2[%swap3A_1093, %swap3A_1094], %transpose3A_1092 {strides = array<i32>} : memref<16384x128xf32, #tpu.memory_space<vmem>>, vector<128x128xf32>,
    %slice3A_1096 = vector.extract_strided_slice %get3A_1 {offsets = [0, 62464], sizes = [32, 128], strides = [1, 1]} : vector<32x65536xf32> to vector<32x128xf32>
    %slice3A_1097 = vector.extract_strided_slice %get3A_1 {offsets = [0, 62592], sizes = [32, 128], strides = [1, 1]} : vector<32x65536xf32> to vector<32x128xf32>
    %slice3A_1098 = vector.extract_strided_slice %get3A_1 {offsets = [0, 62720], sizes = [32, 128], strides = [1, 1]} : vector<32x65536xf32> to vector<32x128xf32>
    %slice3A_1099 = vector.extract_strided_slice %get3A_1 {offsets = [0, 62848], sizes = [32, 128], strides = [1, 1]} : vector<32x65536xf32> to vector<32x128xf32>
    %concatenate3A_1100 = tpu.concatenate %slice3A_1096, %slice3A_1097, %slice3A_1098, %slice3A_1099 in 0 : vector<32x128xf32>, vector<32x128xf32>, vector<32x128xf32>, vector<32x128xf32> -> vector<128x128xf32>
    %transpose3A_1101 = tpu.transpose %concatenate3A_1100, [1, 0] : vector<128x128xf32> -> vector<128x128xf32>
    %swap3A_1102 = arith.constant 15616 : index
    %swap3A_1103 = arith.constant 0 : index
    %swap3A_1104 = vector.load %arg2[%swap3A_1102, %swap3A_1103] : memref<16384x128xf32, #tpu.memory_space<vmem>>, vector<128x128xf32>
    tpu.vector_store %arg2[%swap3A_1102, %swap3A_1103], %transpose3A_1101 {strides = array<i32>} : memref<16384x128xf32, #tpu.memory_space<vmem>>, vector<128x128xf32>,
    %slice3A_1105 = vector.extract_strided_slice %get3A_1 {offsets = [0, 62976], sizes = [32, 128], strides = [1, 1]} : vector<32x65536xf32> to vector<32x128xf32>
    %slice3A_1106 = vector.extract_strided_slice %get3A_1 {offsets = [0, 63104], sizes = [32, 128], strides = [1, 1]} : vector<32x65536xf32> to vector<32x128xf32>
    %slice3A_1107 = vector.extract_strided_slice %get3A_1 {offsets = [0, 63232], sizes = [32, 128], strides = [1, 1]} : vector<32x65536xf32> to vector<32x128xf32>
    %slice3A_1108 = vector.extract_strided_slice %get3A_1 {offsets = [0, 63360], sizes = [32, 128], strides = [1, 1]} : vector<32x65536xf32> to vector<32x128xf32>
    %concatenate3A_1109 = tpu.concatenate %slice3A_1105, %slice3A_1106, %slice3A_1107, %slice3A_1108 in 0 : vector<32x128xf32>, vector<32x128xf32>, vector<32x128xf32>, vector<32x128xf32> -> vector<128x128xf32>
    %transpose3A_1110 = tpu.transpose %concatenate3A_1109, [1, 0] : vector<128x128xf32> -> vector<128x128xf32>
    %swap3A_1111 = arith.constant 15744 : index
    %swap3A_1112 = arith.constant 0 : index
    %swap3A_1113 = vector.load %arg2[%swap3A_1111, %swap3A_1112] : memref<16384x128xf32, #tpu.memory_space<vmem>>, vector<128x128xf32>
    tpu.vector_store %arg2[%swap3A_1111, %swap3A_1112], %transpose3A_1110 {strides = array<i32>} : memref<16384x128xf32, #tpu.memory_space<vmem>>, vector<128x128xf32>,
    %slice3A_1114 = vector.extract_strided_slice %get3A_1 {offsets = [0, 63488], sizes = [32, 128], strides = [1, 1]} : vector<32x65536xf32> to vector<32x128xf32>
    %slice3A_1115 = vector.extract_strided_slice %get3A_1 {offsets = [0, 63616], sizes = [32, 128], strides = [1, 1]} : vector<32x65536xf32> to vector<32x128xf32>
    %slice3A_1116 = vector.extract_strided_slice %get3A_1 {offsets = [0, 63744], sizes = [32, 128], strides = [1, 1]} : vector<32x65536xf32> to vector<32x128xf32>
    %slice3A_1117 = vector.extract_strided_slice %get3A_1 {offsets = [0, 63872], sizes = [32, 128], strides = [1, 1]} : vector<32x65536xf32> to vector<32x128xf32>
    %concatenate3A_1118 = tpu.concatenate %slice3A_1114, %slice3A_1115, %slice3A_1116, %slice3A_1117 in 0 : vector<32x128xf32>, vector<32x128xf32>, vector<32x128xf32>, vector<32x128xf32> -> vector<128x128xf32>
    %transpose3A_1119 = tpu.transpose %concatenate3A_1118, [1, 0] : vector<128x128xf32> -> vector<128x128xf32>
    %swap3A_1120 = arith.constant 15872 : index
    %swap3A_1121 = arith.constant 0 : index
    %swap3A_1122 = vector.load %arg2[%swap3A_1120, %swap3A_1121] : memref<16384x128xf32, #tpu.memory_space<vmem>>, vector<128x128xf32>
    tpu.vector_store %arg2[%swap3A_1120, %swap3A_1121], %transpose3A_1119 {strides = array<i32>} : memref<16384x128xf32, #tpu.memory_space<vmem>>, vector<128x128xf32>,
    %slice3A_1123 = vector.extract_strided_slice %get3A_1 {offsets = [0, 64000], sizes = [32, 128], strides = [1, 1]} : vector<32x65536xf32> to vector<32x128xf32>
    %slice3A_1124 = vector.extract_strided_slice %get3A_1 {offsets = [0, 64128], sizes = [32, 128], strides = [1, 1]} : vector<32x65536xf32> to vector<32x128xf32>
    %slice3A_1125 = vector.extract_strided_slice %get3A_1 {offsets = [0, 64256], sizes = [32, 128], strides = [1, 1]} : vector<32x65536xf32> to vector<32x128xf32>
    %slice3A_1126 = vector.extract_strided_slice %get3A_1 {offsets = [0, 64384], sizes = [32, 128], strides = [1, 1]} : vector<32x65536xf32> to vector<32x128xf32>
    %concatenate3A_1127 = tpu.concatenate %slice3A_1123, %slice3A_1124, %slice3A_1125, %slice3A_1126 in 0 : vector<32x128xf32>, vector<32x128xf32>, vector<32x128xf32>, vector<32x128xf32> -> vector<128x128xf32>
    %transpose3A_1128 = tpu.transpose %concatenate3A_1127, [1, 0] : vector<128x128xf32> -> vector<128x128xf32>
    %swap3A_1129 = arith.constant 16000 : index
    %swap3A_1130 = arith.constant 0 : index
    %swap3A_1131 = vector.load %arg2[%swap3A_1129, %swap3A_1130] : memref<16384x128xf32, #tpu.memory_space<vmem>>, vector<128x128xf32>
    tpu.vector_store %arg2[%swap3A_1129, %swap3A_1130], %transpose3A_1128 {strides = array<i32>} : memref<16384x128xf32, #tpu.memory_space<vmem>>, vector<128x128xf32>,
    %slice3A_1132 = vector.extract_strided_slice %get3A_1 {offsets = [0, 64512], sizes = [32, 128], strides = [1, 1]} : vector<32x65536xf32> to vector<32x128xf32>
    %slice3A_1133 = vector.extract_strided_slice %get3A_1 {offsets = [0, 64640], sizes = [32, 128], strides = [1, 1]} : vector<32x65536xf32> to vector<32x128xf32>
    %slice3A_1134 = vector.extract_strided_slice %get3A_1 {offsets = [0, 64768], sizes = [32, 128], strides = [1, 1]} : vector<32x65536xf32> to vector<32x128xf32>
    %slice3A_1135 = vector.extract_strided_slice %get3A_1 {offsets = [0, 64896], sizes = [32, 128], strides = [1, 1]} : vector<32x65536xf32> to vector<32x128xf32>
    %concatenate3A_1136 = tpu.concatenate %slice3A_1132, %slice3A_1133, %slice3A_1134, %slice3A_1135 in 0 : vector<32x128xf32>, vector<32x128xf32>, vector<32x128xf32>, vector<32x128xf32> -> vector<128x128xf32>
    %transpose3A_1137 = tpu.transpose %concatenate3A_1136, [1, 0] : vector<128x128xf32> -> vector<128x128xf32>
    %swap3A_1138 = arith.constant 16128 : index
    %swap3A_1139 = arith.constant 0 : index
    %swap3A_1140 = vector.load %arg2[%swap3A_1138, %swap3A_1139] : memref<16384x128xf32, #tpu.memory_space<vmem>>, vector<128x128xf32>
    tpu.vector_store %arg2[%swap3A_1138, %swap3A_1139], %transpose3A_1137 {strides = array<i32>} : memref<16384x128xf32, #tpu.memory_space<vmem>>, vector<128x128xf32>,
    %slice3A_1141 = vector.extract_strided_slice %get3A_1 {offsets = [0, 65024], sizes = [32, 128], strides = [1, 1]} : vector<32x65536xf32> to vector<32x128xf32>
    %slice3A_1142 = vector.extract_strided_slice %get3A_1 {offsets = [0, 65152], sizes = [32, 128], strides = [1, 1]} : vector<32x65536xf32> to vector<32x128xf32>
    %slice3A_1143 = vector.extract_strided_slice %get3A_1 {offsets = [0, 65280], sizes = [32, 128], strides = [1, 1]} : vector<32x65536xf32> to vector<32x128xf32>
    %slice3A_1144 = vector.extract_strided_slice %get3A_1 {offsets = [0, 65408], sizes = [32, 128], strides = [1, 1]} : vector<32x65536xf32> to vector<32x128xf32>
    %concatenate3A_1145 = tpu.concatenate %slice3A_1141, %slice3A_1142, %slice3A_1143, %slice3A_1144 in 0 : vector<32x128xf32>, vector<32x128xf32>, vector<32x128xf32>, vector<32x128xf32> -> vector<128x128xf32>
    %transpose3A_1146 = tpu.transpose %concatenate3A_1145, [1, 0] : vector<128x128xf32> -> vector<128x128xf32>
    %swap3A_1147 = arith.constant 16256 : index
    %swap3A_1148 = arith.constant 0 : index
    %swap3A_1149 = vector.load %arg2[%swap3A_1147, %swap3A_1148] : memref<16384x128xf32, #tpu.memory_space<vmem>>, vector<128x128xf32>
    tpu.vector_store %arg2[%swap3A_1147, %swap3A_1148], %transpose3A_1146 {strides = array<i32>} : memref<16384x128xf32, #tpu.memory_space<vmem>>, vector<128x128xf32>,
    return
  }
  func.func @transform_0(%arg0: i32) -> (i32, i32) {
    %c0_i32 = arith.constant 0 : i32
    %c0_i32_0 = arith.constant 0 : i32
    return %c0_i32, %arg0 : i32, i32
  }
  func.func @transform_1(%arg0: i32) -> (i32, i32) {
    %c0_i32 = arith.constant 0 : i32
    %c0_i32_0 = arith.constant 0 : i32
    return %arg0, %c0_i32 : i32, i32
  }
}

module attributes {stable_mosaic.version = 14 : i64} {
  func.func @_mlp_body(%arg0: i32, %arg1: memref<1024x100xf32, #tpu.memory_space<vmem>>, %arg2: memref<1024x128xf32, #tpu.memory_space<vmem>>, %arg3: memref<100x256xf32, #tpu.memory_space<vmem>>, %arg4: memref<32x256xf32, #tpu.memory_space<vmem>>, %arg5: memref<1x256xf32, #tpu.memory_space<vmem>>, %arg6: memref<256x128xf32, #tpu.memory_space<vmem>>, %arg7: memref<1x128xf32, #tpu.memory_space<vmem>>, %arg8: memref<1024x128xf32, #tpu.memory_space<vmem>>) attributes {dimension_semantics = [#tpu.dimension_semantics<arbitrary>], iteration_bounds = array<i64: 16>, scalar_prefetch = 0 : i64, scratch_operands = 0 : i64, tpu.core_type = #tpu.core_type<tc>, window_params = [{transform_indices = @transform_0, window_bounds = array<i64: 1024, 100>}, {transform_indices = @transform_1, window_bounds = array<i64: 1024, 128>}, {pipeline_mode = #tpu.pipeline_mode<synchronous>, transform_indices = @transform_2, window_bounds = array<i64: 100, 256>}, {pipeline_mode = #tpu.pipeline_mode<synchronous>, transform_indices = @transform_3, window_bounds = array<i64: 32, 256>}, {pipeline_mode = #tpu.pipeline_mode<synchronous>, transform_indices = @transform_4, window_bounds = array<i64: 1, 256>}, {pipeline_mode = #tpu.pipeline_mode<synchronous>, transform_indices = @transform_5, window_bounds = array<i64: 256, 128>}, {pipeline_mode = #tpu.pipeline_mode<synchronous>, transform_indices = @transform_6, window_bounds = array<i64: 1, 128>}, {transform_indices = @transform_7, window_bounds = array<i64: 1024, 128>}]} {
    %get3A = arith.constant 0 : index
    %get3A_0 = arith.constant 0 : index
    %get3A_1 = vector.load %arg1[%get3A, %get3A_0] : memref<1024x100xf32, #tpu.memory_space<vmem>>, vector<1024x1xf32>
    %mul3A = arith.constant 7.812500e-03 : f32
    %mul3A_2 = vector.broadcast %mul3A : f32 to vector<1024x1xf32>
    %mul3A_3 = arith.mulf %get3A_1, %mul3A_2 : vector<1024x1xf32>
    %floor3A = math.floor %mul3A_3 : vector<1024x1xf32>
    %mul3A_4 = arith.constant 2.500000e-01 : f32
    %mul3A_5 = vector.broadcast %mul3A_4 : f32 to vector<1024x1xf32>
    %mul3A_6 = arith.mulf %floor3A, %mul3A_5 : vector<1024x1xf32>
    %floor3A_7 = math.floor %mul3A_6 : vector<1024x1xf32>
    %mul3A_8 = arith.constant 4.000000e+00 : f32
    %mul3A_9 = vector.broadcast %mul3A_8 : f32 to vector<1024x1xf32>
    %mul3A_10 = arith.mulf %mul3A_9, %floor3A_7 : vector<1024x1xf32>
    %sub3A = arith.subf %floor3A, %mul3A_10 : vector<1024x1xf32>
    %get3A_11 = arith.constant 0 : index
    %get3A_12 = arith.constant 0 : index
    %get3A_13 = vector.load %arg2[%get3A_11, %get3A_12] : memref<1024x128xf32, #tpu.memory_space<vmem>>, vector<1024x128xf32>
    %broadcast_in_dim3A = arith.constant 0.000000e+00 : f32
    %broadcast_in_dim3A_14 = vector.broadcast %broadcast_in_dim3A : f32 to vector<1024x32xf32>
    %eq3A = arith.constant 0.000000e+00 : f32
    %eq3A_15 = vector.broadcast %eq3A : f32 to vector<1024x1xf32>
    %eq3A_16 = arith.cmpf oeq, %sub3A, %eq3A_15 : vector<1024x1xf32>
    %slice3A = vector.extract_strided_slice %get3A_13 {offsets = [0, 0], sizes = [1024, 32], strides = [1, 1]} : vector<1024x128xf32> to vector<1024x32xf32>
    %jit3A = arith.constant 0.000000e+00 : f32
    %broadcast_in_dim3A_17 = vector.shape_cast %eq3A_16 : vector<1024x1xi1> to vector<1024x1xi1>
    %broadcast_in_dim3A_18 = vector.broadcast %broadcast_in_dim3A_17 : vector<1024x1xi1> to vector<1024x32xi1>
    %broadcast_in_dim3A_19 = vector.broadcast %jit3A : f32 to vector<1024x32xf32>
    %select_n3A = arith.select %broadcast_in_dim3A_18, %slice3A, %broadcast_in_dim3A_19 : vector<1024x32xi1>, vector<1024x32xf32>
    %add3A = arith.addf %broadcast_in_dim3A_14, %select_n3A : vector<1024x32xf32>
    %eq3A_20 = arith.constant 1.000000e+00 : f32
    %eq3A_21 = vector.broadcast %eq3A_20 : f32 to vector<1024x1xf32>
    %eq3A_22 = arith.cmpf oeq, %sub3A, %eq3A_21 : vector<1024x1xf32>
    %slice3A_23 = vector.extract_strided_slice %get3A_13 {offsets = [0, 32], sizes = [1024, 32], strides = [1, 1]} : vector<1024x128xf32> to vector<1024x32xf32>
    %jit3A_24 = arith.constant 0.000000e+00 : f32
    %broadcast_in_dim3A_25 = vector.shape_cast %eq3A_22 : vector<1024x1xi1> to vector<1024x1xi1>
    %broadcast_in_dim3A_26 = vector.broadcast %broadcast_in_dim3A_25 : vector<1024x1xi1> to vector<1024x32xi1>
    %broadcast_in_dim3A_27 = vector.broadcast %jit3A_24 : f32 to vector<1024x32xf32>
    %select_n3A_28 = arith.select %broadcast_in_dim3A_26, %slice3A_23, %broadcast_in_dim3A_27 : vector<1024x32xi1>, vector<1024x32xf32>
    %add3A_29 = arith.addf %add3A, %select_n3A_28 : vector<1024x32xf32>
    %eq3A_30 = arith.constant 2.000000e+00 : f32
    %eq3A_31 = vector.broadcast %eq3A_30 : f32 to vector<1024x1xf32>
    %eq3A_32 = arith.cmpf oeq, %sub3A, %eq3A_31 : vector<1024x1xf32>
    %slice3A_33 = vector.extract_strided_slice %get3A_13 {offsets = [0, 64], sizes = [1024, 32], strides = [1, 1]} : vector<1024x128xf32> to vector<1024x32xf32>
    %jit3A_34 = arith.constant 0.000000e+00 : f32
    %broadcast_in_dim3A_35 = vector.shape_cast %eq3A_32 : vector<1024x1xi1> to vector<1024x1xi1>
    %broadcast_in_dim3A_36 = vector.broadcast %broadcast_in_dim3A_35 : vector<1024x1xi1> to vector<1024x32xi1>
    %broadcast_in_dim3A_37 = vector.broadcast %jit3A_34 : f32 to vector<1024x32xf32>
    %select_n3A_38 = arith.select %broadcast_in_dim3A_36, %slice3A_33, %broadcast_in_dim3A_37 : vector<1024x32xi1>, vector<1024x32xf32>
    %add3A_39 = arith.addf %add3A_29, %select_n3A_38 : vector<1024x32xf32>
    %eq3A_40 = arith.constant 3.000000e+00 : f32
    %eq3A_41 = vector.broadcast %eq3A_40 : f32 to vector<1024x1xf32>
    %eq3A_42 = arith.cmpf oeq, %sub3A, %eq3A_41 : vector<1024x1xf32>
    %slice3A_43 = vector.extract_strided_slice %get3A_13 {offsets = [0, 96], sizes = [1024, 32], strides = [1, 1]} : vector<1024x128xf32> to vector<1024x32xf32>
    %jit3A_44 = arith.constant 0.000000e+00 : f32
    %broadcast_in_dim3A_45 = vector.shape_cast %eq3A_42 : vector<1024x1xi1> to vector<1024x1xi1>
    %broadcast_in_dim3A_46 = vector.broadcast %broadcast_in_dim3A_45 : vector<1024x1xi1> to vector<1024x32xi1>
    %broadcast_in_dim3A_47 = vector.broadcast %jit3A_44 : f32 to vector<1024x32xf32>
    %select_n3A_48 = arith.select %broadcast_in_dim3A_46, %slice3A_43, %broadcast_in_dim3A_47 : vector<1024x32xi1>, vector<1024x32xf32>
    %add3A_49 = arith.addf %add3A_39, %select_n3A_48 : vector<1024x32xf32>
    %get3A_50 = arith.constant 0 : index
    %get3A_51 = arith.constant 0 : index
    %get3A_52 = vector.load %arg1[%get3A_50, %get3A_51] : memref<1024x100xf32, #tpu.memory_space<vmem>>, vector<1024x100xf32>
    %get3A_53 = arith.constant 0 : index
    %get3A_54 = arith.constant 0 : index
    %get3A_55 = vector.load %arg3[%get3A_53, %get3A_54] : memref<100x256xf32, #tpu.memory_space<vmem>>, vector<100x256xf32>
    %dot_general3A = arith.constant dense<0.000000e+00> : vector<1024x256xf32>
    %dot_general3A_56 = tpu.matmul %get3A_52, %get3A_55, %dot_general3A {dimension_numbers = #tpu.dot_dimension_numbers<[1], [0], [0], [1], [0, 0, 1, 1], [], []>, transpose_lhs_hint = false} : vector<1024x100xf32>, vector<100x256xf32>, vector<1024x256xf32> -> vector<1024x256xf32>
    %get3A_57 = arith.constant 0 : index
    %get3A_58 = arith.constant 0 : index
    %get3A_59 = vector.load %arg4[%get3A_57, %get3A_58] : memref<32x256xf32, #tpu.memory_space<vmem>>, vector<32x256xf32>
    %dot_general3A_60 = arith.constant dense<0.000000e+00> : vector<1024x256xf32>
    %dot_general3A_61 = tpu.matmul %add3A_49, %get3A_59, %dot_general3A_60 {dimension_numbers = #tpu.dot_dimension_numbers<[1], [0], [0], [1], [0, 0, 1, 1], [], []>, transpose_lhs_hint = false} : vector<1024x32xf32>, vector<32x256xf32>, vector<1024x256xf32> -> vector<1024x256xf32>
    %add3A_62 = arith.addf %dot_general3A_56, %dot_general3A_61 : vector<1024x256xf32>
    %get3A_63 = arith.constant 0 : index
    %get3A_64 = arith.constant 0 : index
    %get3A_65 = vector.load %arg5[%get3A_63, %get3A_64] : memref<1x256xf32, #tpu.memory_space<vmem>>, vector<1x256xf32>
    %add3A_66 = vector.broadcast %get3A_65 : vector<1x256xf32> to vector<1024x256xf32>
    %add3A_67 = arith.addf %add3A_62, %add3A_66 : vector<1024x256xf32>
    %max3A = arith.constant 0.000000e+00 : f32
    %max3A_68 = vector.broadcast %max3A : f32 to vector<1024x256xf32>
    %max3A_69 = arith.maximumf %add3A_67, %max3A_68 : vector<1024x256xf32>
    %get3A_70 = arith.constant 0 : index
    %get3A_71 = arith.constant 0 : index
    %get3A_72 = vector.load %arg6[%get3A_70, %get3A_71] : memref<256x128xf32, #tpu.memory_space<vmem>>, vector<256x128xf32>
    %dot_general3A_73 = arith.constant dense<0.000000e+00> : vector<1024x128xf32>
    %dot_general3A_74 = tpu.matmul %max3A_69, %get3A_72, %dot_general3A_73 {dimension_numbers = #tpu.dot_dimension_numbers<[1], [0], [0], [1], [0, 0, 1, 1], [], []>, transpose_lhs_hint = false} : vector<1024x256xf32>, vector<256x128xf32>, vector<1024x128xf32> -> vector<1024x128xf32>
    %get3A_75 = arith.constant 0 : index
    %get3A_76 = arith.constant 0 : index
    %get3A_77 = vector.load %arg7[%get3A_75, %get3A_76] : memref<1x128xf32, #tpu.memory_space<vmem>>, vector<1x128xf32>
    %add3A_78 = vector.broadcast %get3A_77 : vector<1x128xf32> to vector<1024x128xf32>
    %add3A_79 = arith.addf %dot_general3A_74, %add3A_78 : vector<1024x128xf32>
    %max3A_80 = arith.constant 0.000000e+00 : f32
    %max3A_81 = vector.broadcast %max3A_80 : f32 to vector<1024x128xf32>
    %max3A_82 = arith.maximumf %add3A_79, %max3A_81 : vector<1024x128xf32>
    %swap3A = arith.constant 0 : index
    %swap3A_83 = arith.constant 0 : index
    %swap3A_84 = vector.load %arg8[%swap3A, %swap3A_83] : memref<1024x128xf32, #tpu.memory_space<vmem>>, vector<1024x128xf32>
    tpu.vector_store %arg8[%swap3A, %swap3A_83], %max3A_82 {strides = array<i32>} : memref<1024x128xf32, #tpu.memory_space<vmem>>, vector<1024x128xf32>,
    return
  }
  func.func @transform_0(%arg0: i32) -> (i32, i32) {
    %c0_i32 = arith.constant 0 : i32
    %c0_i32_0 = arith.constant 0 : i32
    return %arg0, %c0_i32 : i32, i32
  }
  func.func @transform_1(%arg0: i32) -> (i32, i32) {
    %c0_i32 = arith.constant 0 : i32
    %c0_i32_0 = arith.constant 0 : i32
    return %arg0, %c0_i32 : i32, i32
  }
  func.func @transform_2(%arg0: i32) -> (i32, i32) {
    %c0_i32 = arith.constant 0 : i32
    %c0_i32_0 = arith.constant 0 : i32
    %c0_i32_1 = arith.constant 0 : i32
    return %c0_i32, %c0_i32_0 : i32, i32
  }
  func.func @transform_3(%arg0: i32) -> (i32, i32) {
    %c0_i32 = arith.constant 0 : i32
    %c0_i32_0 = arith.constant 0 : i32
    %c0_i32_1 = arith.constant 0 : i32
    return %c0_i32, %c0_i32_0 : i32, i32
  }
  func.func @transform_4(%arg0: i32) -> (i32, i32) {
    %c0_i32 = arith.constant 0 : i32
    %c0_i32_0 = arith.constant 0 : i32
    %c0_i32_1 = arith.constant 0 : i32
    return %c0_i32, %c0_i32_0 : i32, i32
  }
  func.func @transform_5(%arg0: i32) -> (i32, i32) {
    %c0_i32 = arith.constant 0 : i32
    %c0_i32_0 = arith.constant 0 : i32
    %c0_i32_1 = arith.constant 0 : i32
    return %c0_i32, %c0_i32_0 : i32, i32
  }
  func.func @transform_6(%arg0: i32) -> (i32, i32) {
    %c0_i32 = arith.constant 0 : i32
    %c0_i32_0 = arith.constant 0 : i32
    %c0_i32_1 = arith.constant 0 : i32
    return %c0_i32, %c0_i32_0 : i32, i32
  }
  func.func @transform_7(%arg0: i32) -> (i32, i32) {
    %c0_i32 = arith.constant 0 : i32
    %c0_i32_0 = arith.constant 0 : i32
    return %arg0, %c0_i32 : i32, i32
  }
}

</mosaic_0001>

<sc_bundles>
// kernel: kernel.5.cloned.1.call-start
scs
__scs_entry_jumppad:
0x0: {  	(pc) =	sbr.rel $0x88, $3  }
0x1: {  	(tag) =	ssettag $0x0;
	lr =	simm.s32 $0x1  }
0x2: {  	[smem:$0x3F9B] =	sst lr;
	_ =	strace $0xD0000000  }
0x3: {  	_ = 	snop  }
0x4: {  	_ = 	snop  }
0x5: {  	_ = 	snop  }
0x6: {  	_ = 	snop  }
0x7: {  	_ = 	snop  }
__scs_overlays_trampoline_lowered:
0x8: {  	[smem:$0x3FAA] =	sst s0  }
0x9: {  	[smem:$0x3FAB] =	sst s1  }
0xa: {  	[smem:$0x3FAC] =	sst s2  }
0xb: {  	[smem:$0x3FAD] =	sst s3  }
0xc: {  	[smem:$0x3FAE] =	sst s4  }
0xd: {  	[smem:$0x3FAF] =	sst s5  }
0xe: {  	[smem:$0x3FB0] =	sst s6  }
0xf: {  	[smem:$0x3FB1] =	sst s7  }
0x10: {  	[smem:$0x3FB2] =	sst s8  }
0x11: {  	[smem:$0x3FB3] =	sst s9;
	s0 =	simm.s32 @!p0 $0x0  }
0x12: {  	s1 =	sld [smem:$0x3F99];
	s0 =	simm.s32 @p0 $0x1  }
0x13: {  	[smem:$0x3FB4] =	sst s0;
	s0 =	simm.s32 @!p1 $0x0  }
0x14: {  	s2 =	sld [smem:$0x3F98];
	s0 =	simm.s32 @p1 $0x1  }
0x15: {  	[smem:$0x3FB5] =	sst s0;
	s0 =	simm.s32 @!p2 $0x0  }
0x16: {  	s3 =	sld [smem:$0x3FDB];
	s0 =	simm.s32 @p2 $0x1  }
0x17: {  	s4 =	simm.s32 $0x1BF5;
	[smem:$0x3FB7] =	sst s0  }
0x18: {  	s0 =	sld [smem:$0x3F9A];
	_ =	swait.ge [sflag:s4], $0x0  }
0x19: {  	s7 =	sld [smem:$0x3F9B]  }
0x1a: {  	s8 =	sadd.s32 $0xFFFFE003, lr  }
0x1b: {  	s9 =	sadd.s32 $0xFFFFFEF7, lr;
	s5 =	simm.s32 $0xFFFFFFFF;
	p2 =	slt.u32 s8, $0xFFFFF086  }
0x1c: {  	p1 =	slt.u32 s9, $0xF7A;
	s5 =	simm.s32 @!p2 $0x0  }
0x1d: {  	s5 =	simm.s32 @p1 $0x1;
	p0 =	seq.s32 s7, s2  }
0x1e: {  	s7 =	smul.u32 @!p0 $0xF7A, s2;
	p2 =	seq.s32 @!p0 s5, $0x0  }
0x1f: {  	s9 =	smul.u32 $0xF7A, s1;
	s8 =	simm.s32 @!p0 $0x1BF5;
	p2 =	por !p2, p0  }
0x20: {  	[sflag:s8] =	ssyncset.s32 @!p0 $0xFFFFF086;
	s6 =	sadd.s32 @!p0 s3, s7;
	s7 =	simm.s32 @!p0 $0x108  }
0x21: {  	s3 =	sadd.s32 s3, s9;
	s6 =	sadd.s32 @!p0 $0x88, s6;
	s7 =	simm.s32 @p2 $0x1082  }
0x22: {  	[simem:s7], [sflag:s8] =	dma.local @!p0 [hbm:s6], $0xF7A  }
0x23: {  	s9 =	sor.u32 $0xD0000000, s2;
	s6 =	simm.s32 $0x108;
	_ =	swait.ge @!p0 [sflag:s8], $0x0  }
0x24: {  	s3 =	sadd.s32 $0x88, s3;
	s6 =	simm.s32 @!p1 $0x1082;
	[sflag:s4] =	ssyncset.s32 $0xFFFFF086  }
0x25: {  	[simem:s6], [sflag:s4] =	dma.local [hbm:s3], $0xF7A  }
0x26: {  	[smem:$0x3F9B] =	sst s1;
	(tag) =	ssettag s2;
	_ =	strace s9  }
0x27: {  	s1 =	sld [smem:$0x3FAB]  }
0x28: {  	s2 =	sld [smem:$0x3FAC]  }
0x29: {  	s4 =	sld [smem:$0x3FAE]  }
0x2a: {  	p0 =	seq.s32 s5, $0x0;
	s5 =	sld [smem:$0x3FAF]  }
0x2b: {  	s6 =	sld [smem:$0x3FB0]  }
0x2c: {  	s7 =	sld [smem:$0x3FB1]  }
0x2d: {  	s3 =	simm.s32 $0x108;
	s8 =	sld [smem:$0x3FB2]  }
0x2e: {  	s3 =	simm.s32 @!p0 $0x1082;
	s9 =	sld [smem:$0x3FB3]  }
0x2f: {  	lr =	sadd.s32 s0, s3;
	s0 =	sld [smem:$0x3FAA]  }
0x30: {  	s3 =	sld [smem:$0x3FAD]  }
0x31: {  	[smem:$0x3FB6] =	sst s10  }
0x32: {  	s10 =	sld [smem:$0x3FB4];
	_ =	sdelay $0x3  }
0x33: {  	p0 =	seq.s32 s10, $0x1;
	s10 =	sld [smem:$0x3FB6];
	_ =	sdelay $0x3  }
0x34: {  	[smem:$0x3FB6] =	sst s10  }
0x35: {  	s10 =	sld [smem:$0x3FB5];
	_ =	sdelay $0x3  }
0x36: {  	p1 =	seq.s32 s10, $0x1;
	s10 =	sld [smem:$0x3FB6];
	_ =	sdelay $0x3  }
0x37: {  	[smem:$0x3FB6] =	sst s10  }
0x38: {  	s10 =	sld [smem:$0x3FB7]  }
0x39: {  	_ = 	snop;
	(pc) =	sbr.ind lr, $3  }
0x3a: {  	_ = 	snop  }
0x3b: {  	_ = 	snop  }
0x3c: {  	p2 =	seq.s32 s10, $0x1;
	s10 =	sld [smem:$0x3FB6]  }
0x3d: {  	_ =	shalt  }
0x3e: {  	_ =	shalt  }
0x3f: {  	_ =	shalt  }
0x40: {  	_ =	shalt  }
0x41: {  	_ =	shalt  }
0x42: {  	_ =	shalt  }
0x43: {  	_ =	shalt  }
0x44: {  	_ =	shalt  }
0x45: {  	_ =	shalt  }
0x46: {  	_ =	shalt  }
0x47: {  	_ =	shalt  }
0x48: {  	_ =	shalt  }
0x49: {  	_ =	shalt  }
0x4a: {  	_ =	shalt  }
0x4b: {  	_ =	shalt  }
0x4c: {  	_ =	shalt  }
0x4d: {  	_ =	shalt  }
0x4e: {  	_ =	shalt  }
0x4f: {  	_ =	shalt  }
0x50: {  	_ =	shalt  }
0x51: {  	_ =	shalt  }
0x52: {  	_ =	shalt  }
0x53: {  	_ =	shalt  }
0x54: {  	_ =	shalt  }
0x55: {  	_ =	shalt  }
0x56: {  	_ =	shalt  }
0x57: {  	_ =	shalt  }
0x58: {  	_ =	shalt  }
0x59: {  	_ =	shalt  }
0x5a: {  	_ =	shalt  }
0x5b: {  	_ =	shalt  }
0x5c: {  	_ =	shalt  }
0x5d: {  	_ =	shalt  }
0x5e: {  	_ =	shalt  }
0x5f: {  	_ =	shalt  }
0x60: {  	_ =	shalt  }
0x61: {  	_ =	shalt  }
0x62: {  	_ =	shalt  }
0x63: {  	_ =	shalt  }
0x64: {  	_ =	shalt  }
0x65: {  	_ =	shalt  }
0x66: {  	_ =	shalt  }
0x67: {  	_ =	shalt  }
0x68: {  	_ =	shalt  }
0x69: {  	_ =	shalt  }
0x6a: {  	_ =	shalt  }
0x6b: {  	_ =	shalt  }
0x6c: {  	_ =	shalt  }
0x6d: {  	_ =	shalt  }
0x6e: {  	_ =	shalt  }
0x6f: {  	_ =	shalt  }
0x70: {  	_ =	shalt  }
0x71: {  	_ =	shalt  }
0x72: {  	_ =	shalt  }
0x73: {  	_ =	shalt  }
0x74: {  	_ =	shalt  }
0x75: {  	_ =	shalt  }
0x76: {  	_ =	shalt  }
0x77: {  	_ =	shalt  }
0x78: {  	_ =	shalt  }
0x79: {  	_ =	shalt  }
0x7a: {  	_ =	shalt  }
0x7b: {  	_ =	shalt  }
0x7c: {  	_ =	shalt  }
0x7d: {  	_ =	shalt  }
0x7e: {  	_ =	shalt  }
0x7f: {  	_ =	shalt  }
0x80: {  	_ =	shalt  }
0x81: {  	_ =	shalt  }
0x82: {  	_ =	shalt  }
0x83: {  	_ =	shalt  }
0x84: {  	_ =	shalt  }
0x85: {  	_ =	shalt  }
0x86: {  	_ =	shalt  }
0x87: {  	_ =	shalt  }
.Lfunc_end0:
.L_simem_size_0:
called_computation_lowered:
.L_overlay_start_0:
0x88: {  	s2 =	sld [smem:$0x3FD9]  }
0x89: {  	s3 =	sld [smem:$0x3FFE];
	_ =	sdelay $0x1  }
0x8a: {  	s1 =	srdreg.scid  }
0x8b: {  	s0 =	sand.u32 $0x1, s1  }
0x8c: {  	s17 =	sshll.u32 s0, $0xA;
	s2 =	sadd.s32 s3, s2  }
0x8d: {  	s2 =	sadd.s32 s2, s17  }
0x8e: {  	[smem:$0x3FC2] =	sst s2  }
0x8f: {  	_ = 	snop  }
0x90: {  	s2 =	sld [smem:$0x3FD0];
	(tm) =	ssettm $0x1  }
0x91: {  	s18 =	sld [smem:$0x3FFB];
	_ =	sdelay $0x3  }
0x92: {  	_ =	strace s18  }
0x93: {  	s3 =	sld [smem:$0x3FFC];
	_ =	sdelay $0x3  }
0x94: {  	_ =	strace s3  }
0x95: {  	s3 =	sld [smem:$0x3FFD];
	_ =	sdelay $0x3  }
0x96: {  	_ =	strace s3  }
0x97: {  	_ =	strace $0x8FFFFFFF  }
0x98: {  	s19 =	sld [smem:$0x3FDB];
	_ =	sdelay $0x1  }
0x99: {  	s4 =	simm.s32 $_scs_section_size  }
0x9a: {  	s5 =	simm.s32 $_size__tile_overlayer_lowered;
	s6 =	simm.s32 $_tile_overlayer_lowered  }
0x9b: {  	s22 =	simm.s32 $0x1BFF;
	s21 =	sshll.u32 s6, $0x1;
	s3 =	sadd.s32 s4, s19  }
0x9c: {  	s7 =	simm.s32 $0x0;
	s20 =	sshll.u32 s5, $0x1;
	s5 =	sadd.s32 s21, s3  }
0x9d: {  	[timem:s7], [sflag:s22] =	dma.local [hbm:s5], s20  }
0x9e: {  	_ =	swait.ge [sflag:s22], s20  }
0x9f: {  	s4 =	ssub.s32 $0x0, s20;
	[sflag:s22] =	ssyncset.done $0x0  }
0xa0: {  	[sflag:s22] =	ssyncadd.s32 s4;
	_ =	sdelay $0x1  }
0xa1: {  	s23 =	simm.s32 $0x1B8B  }
0xa2: {  	_ =	swait.ge [sflag:s23], $0x1  }
0xa3: {  	[sflag:s23] =	ssyncset.done $0x0  }
0xa4: {  	s25 =	simm.s32 $0x1B8E;
	s24 =	sld [smem:$0x3FFE];
	[sflag:s23] =	ssyncadd.s32 $0xFFFFFFFF  }
0xa5: {  	s26 =	simm.s32 $execute0_lowered;
	[smem:$0x3FD2] =	sst s25  }
0xa6: {  	s5 =	sshll.u32 s26, $0x1;
	_ =	strace $0x80000046;
	[dreg:$0x1] =	wrdreg $0xFFFFFFFF  }
0xa7: {  	s28 =	simm.s32 $_size_execute0_lowered;
	s3 =	sadd.s32 s3, s5;
	[dreg:$0x0] =	wrdreg $0x0  }
0xa8: {  	s5 =	sshll.u32 s28, $0x1;
	[dreg:$0x2] =	wrdreg s3  }
0xa9: {  	[dreg:$0x3] =	wrdreg s5  }
0xaa: {  	[dreg:$0x4] =	wrdreg $0xC0  }
0xab: {  	_ =	task [dreg:s7], $0x5FFFF  }
0xac: {  	[dreg:$0x1] =	wrdreg $0xFFFFFFFF  }
0xad: {  	[dreg:$0x0] =	wrdreg $0x60  }
0xae: {  	[dreg:$0x2] =	wrdreg s24  }
0xaf: {  	[dreg:$0x3] =	wrdreg s2  }
0xb0: {  	[dreg:$0x4] =	wrdreg $0x9  }
0xb1: {  	_ =	task.clear_ibuf [dreg:s7], $0x5FFFF;
	_ =	strace $0x90000046  }
0xb2: {  	s29 =	simm.s32 $0x9;
	_ =	strace $0x80000048  }
0xb3: {  	_ =	swait.ge [sflag:s29], $0x1  }
0xb4: {  	[sflag:s29] =	ssyncadd.s32 $0xFFFFFFFF  }
0xb5: {  	_ =	strace $0x90000048  }
0xb6: {  	_ =	sfence  }
0xb7: {  	s30 =	sld [smem:$0x0];
	_ =	sdelay $0x2  }
0xb8: {  	s31 =	sshll.u32 s1, $0xD;
	s1 =	sshrl.u32 s1, $0x2  }
0xb9: {  	s3 =	sand.u32 $0x4000, s31;
	s1 =	sadd.s32 s1, s30  }
0xba: {  	s0 =	sor.u32 s3, s0;
	s1 =	sshll.u32 s1, $0x11  }
0xbb: {  	s0 =	sor.u32 s1, s0  }
0xbc: {  	s0 =	sadd.s32 $0x8F2B, s0  }
0xbd: {  	[sflag:s0] =	ssyncadd.remote.s32 $0x1  }
0xbe: {  	_ =	sfence.sel $0xFFFF  }
0xbf: {  	[dreg:$0x0] =	wrdreg $0xFFFFFFFF;
	(pc) =	sbr.abs _section_cstart, $3  }
0xc0: {  	[dreg:$0x1] =	wrdreg $0xFFFFFFFF  }
0xc1: {  	_ =	task.clear_ibuf [dreg:s7], $0x2FFFF;
	_ =	strace $0x9FFFFFFF  }
0xc2: {  	(tm) =	ssettm $0x7FFFFFFF  }
0xc3: {  	_ =	shalt  }
tec
execute0_lowered:
.L_overlay_start_1:
0x0: {  	(tag) =	ssettag $0x1  }
0x1: {  	s1 =	srdreg.scid;
	s0 =	stileid.u32  }
0x2: {  	s5 =	rddreg [dreg:$0x0];
	s14 =	sand.u32 $0x1, s1;
	s29 =	sshll.u32 s0, $0x1  }
0x3: {  	s15 =	rddreg [dreg:$0x1];
	s16 =	sor.u32 s14, s29  }
0x4: {  	s2 =	simm.s32 $0x0;
	s1 =	rddreg [dreg:$0x2];
	s3 =	sshll.u32 s16, $0x6  }
0x5: {  	[smem:$0x7FF] =	sst s2;
	s3 =	sadd.s32 s3, s5  }
0x6: {  	_ =	strace $0x80000047;
	s4 =	sadd.s32 $0x401400, s3;
	s3 =	simm.s32 $0x2  }
0x7: {  	[tilespmem:s2], [sflag:$0x2] =	stream.linear.gather [hbm4b:s4+s2], $0x200, $0x38;
	[tilespmem:$0x10200] =	vst v63  }
0x8: {  	_ =	swait.ge [sflag:s3], $0x200  }
0x9: {  	s6 =	simm.s32 $0x80;
	[sflag:s3] =	ssyncset.done $0x0  }
0xa: {  	s7 =	simm.s32 $0x200;
	s5 =	sadd.s32 $0x1400, s5;
	[sflag:s3] =	ssyncadd.s32 $0xFFFFFE00  }
0xb: {  	[tilespmem:s7], [sflag:$0x1] =	stream.indirect.gather [hbm4b:s5+s6], $0x80, s2, s6, $0xb8;
	[tilespmem:$0x10200] =	vst v63  }
0xc: {  	s8 =	simm.s32 $0x4200  }
0xd: {  	[tilespmem:s8], [sflag:$0x1] =	stream.indirect.gather [hbm4b:s5+s6], $0x80, s6, s6, $0xb8;
	[tilespmem:$0x10200] =	vst v63  }
0xe: {  	s9 =	simm.s32 $0x100;
	s10 =	simm.s32 $0x8200  }
0xf: {  	[tilespmem:s10], [sflag:$0x1] =	stream.indirect.gather [hbm4b:s5+s6], $0x80, s9, s6, $0xb8;
	[tilespmem:$0x10200] =	vst v63  }
0x10: {  	s11 =	simm.s32 $0x180;
	s12 =	simm.s32 $0xC200;
	s13 =	simm.s32 $0x1  }
0x11: {  	[tilespmem:s12], [sflag:$0x1] =	stream.indirect.gather [hbm4b:s5+s6], $0x80, s11, s6, $0xb8;
	[tilespmem:$0x10200] =	vst v63  }
0x12: {  	_ =	swait.ge [sflag:s13], $0x4000  }
0x13: {  	[sflag:s13] =	ssyncset.done $0x0  }
0x14: {  	[sflag:s13] =	ssyncadd.s32 $0xFFFFC000  }
0x15: {  	_ =	swait.ge [sflag:s13], $0x4000  }
0x16: {  	[sflag:s13] =	ssyncset.done $0x0  }
0x17: {  	s14 =	ssub.s32 $0x2, s14;
	[sflag:s13] =	ssyncadd.s32 $0xFFFFC000  }
0x18: {  	s17 =	sshrl.u32 s14, $0x1;
	_ =	swait.ge [sflag:s13], $0x4000  }
0x19: {  	s17 =	ssub.s32 s14, s17;
	[sflag:s13] =	ssyncset.done $0x0  }
0x1a: {  	s31 =	smax.u32 s17, $0x1;
	[sflag:s13] =	ssyncadd.s32 $0xFFFFC000  }
0x1b: {  	p0 =	sne.s32 s31, $0x1;
	_ =	swait.ge [sflag:s13], $0x4000  }
.Ltmp0:
0x1c: {  	s30 =	sshll.u32 s16, $0xD;
	[sflag:s13] =	ssyncset.done $0x0;
	(pc) =	sbr.rel @!p0 .LBB2_2-.Ltmp0, $4  }
0x1d: {  	s14 =	sadd.s32 s15, s30;
	[sflag:s13] =	ssyncadd.s32 $0xFFFFC000  }
0x1e: {  	[hbm4b:s14+s2] =	stream.linear.scatter [tilespmem:s7], [sflag:$0x2], $0x10000, $0x38;
	[tilespmem:$0x10200] =	vst v63  }
0x1f: {  	_ =	swait.ge [sflag:s3], $0x10000  }
0x20: {  	s15 =	sadd.s32 $0xFFFFFFFF, s31;
	[sflag:s3] =	ssyncset.done $0x0  }
.LBB2_1:
0x21: {  	p0 =	sne.s32 s15, $0x1;
	s15 =	sadd.s32 $0xFFFFFFFF, s15;
	[sflag:s3] =	ssyncadd.s32 $0xFFFF0000  }
0x22: {  	[tilespmem:s2], [sflag:$0x2] =	stream.linear.gather [hbm4b:s4+s2], $0x200, $0x38;
	[tilespmem:$0x10200] =	vst v63  }
0x23: {  	_ =	swait.ge [sflag:s3], $0x200  }
0x24: {  	[sflag:s3] =	ssyncset.done $0x0  }
0x25: {  	[sflag:s3] =	ssyncadd.s32 $0xFFFFFE00  }
0x26: {  	[tilespmem:s7], [sflag:$0x1] =	stream.indirect.gather [hbm4b:s5+s6], $0x80, s2, s6, $0xb8;
	[tilespmem:$0x10200] =	vst v63  }
0x27: {  	_ = 	snop  }
0x28: {  	[tilespmem:s8], [sflag:$0x1] =	stream.indirect.gather [hbm4b:s5+s6], $0x80, s6, s6, $0xb8;
	[tilespmem:$0x10200] =	vst v63  }
0x29: {  	_ = 	snop  }
0x2a: {  	[tilespmem:s10], [sflag:$0x1] =	stream.indirect.gather [hbm4b:s5+s6], $0x80, s9, s6, $0xb8;
	[tilespmem:$0x10200] =	vst v63  }
0x2b: {  	_ = 	snop  }
0x2c: {  	[tilespmem:s12], [sflag:$0x1] =	stream.indirect.gather [hbm4b:s5+s6], $0x80, s11, s6, $0xb8;
	[tilespmem:$0x10200] =	vst v63  }
0x2d: {  	_ =	swait.ge [sflag:s13], $0x4000  }
0x2e: {  	[sflag:s13] =	ssyncset.done $0x0  }
0x2f: {  	[sflag:s13] =	ssyncadd.s32 $0xFFFFC000  }
0x30: {  	_ =	swait.ge [sflag:s13], $0x4000  }
0x31: {  	[sflag:s13] =	ssyncset.done $0x0  }
0x32: {  	[sflag:s13] =	ssyncadd.s32 $0xFFFFC000  }
0x33: {  	_ =	swait.ge [sflag:s13], $0x4000  }
0x34: {  	[sflag:s13] =	ssyncset.done $0x0  }
0x35: {  	[sflag:s13] =	ssyncadd.s32 $0xFFFFC000  }
0x36: {  	_ =	swait.ge [sflag:s13], $0x4000  }
.Ltmp1:
0x37: {  	[sflag:s13] =	ssyncset.done $0x0;
	(pc) =	sbr.rel @p0 .LBB2_1-.Ltmp1, $4  }
0x38: {  	[sflag:s13] =	ssyncadd.s32 $0xFFFFC000  }
0x39: {  	[hbm4b:s14+s2] =	stream.linear.scatter [tilespmem:s7], [sflag:$0x2], $0x10000, $0x38;
	[tilespmem:$0x10200] =	vst v63  }
0x3a: {  	_ =	swait.ge [sflag:s3], $0x10000  }
0x3b: {  	[sflag:s3] =	ssyncset.done $0x0  }
.LBB2_2:
0x3c: {  	[sflag:s3] =	ssyncadd.s32 $0xFFFF0000  }
0x3d: {  	_ =	sfence.sel $0x180000  }
0x3e: {  	[bflag:$0x0] =	sbarrier.arrive $0xFFFF  }
0x3f: {  	p0 =	sne.s32 s0, $0x0;
	_ =	strace $0x90000047  }
0x40: {  	s0 =	sadd.s32 @!p0 $0x100000, s1;
	[bflag:$0x2] =	sbarrier.arrive $0xFFFF  }
0x41: {  	[sflag:s0] =	ssyncadd.tile.s32 @!p0 $0x1;
	_ =	shalt  }
.Lfunc_end2:
_tile_overlayer_lowered:
.L_overlay_start_2:
0x42: {  	(tag) =	ssettag $0x2  }
0x43: {  	s0 =	rddreg [dreg:$0x0];
	s2 =	stileid.u32  }
0x44: {  	s1 =	rddreg [dreg:$0x1];
	p0 =	sne.s32 s2, $0x0  }
0x45: {  	s3 =	rddreg [dreg:$0x2];
	[bflag:$0x3] =	sbarrier.arrive $0xFFFF;
	s2 =	simm.s32 @!p0 $0x1C02  }
0x46: {  	[timem:s3], [sflag:s2] =	dma.local @!p0 [hbm:s0], s1  }
0x47: {  	s0 =	simm.s32 @!p0 $0x2  }
0x48: {  	_ =	swait.ge @!p0 [sflag:s0], s1  }
0x49: {  	s1 =	ssub.s32 @!p0 $0x0, s1;
	[sflag:s0] =	ssyncset.done @!p0 $0x0  }
0x4a: {  	[sflag:s0] =	ssyncadd.s32 @!p0 s1  }
0x4b: {  	[bflag:$0x3] =	sbarrier.arrive $0xFFFF  }
0x4c: {  	_ =	shalt  }

</sc_bundles>
